<compile_context>
chip_gen: v7x
topology: tpu7x:2x2x1
jax: 0.10.2.dev20260603
libtpu: 0.0.44.dev20260713+nightly
codegen_flags: <defaults>
</compile_context>

<pallas_src>
import functools
import math

import jax
import jax.numpy as jnp
from jax import lax
from jax.experimental import pallas as pl
from jax.experimental.pallas import tpu as pltpu
from jax.experimental.pallas import tpu_sc as plsc

D_EMB = 64
SCALE = 1.0 / math.sqrt(D_EMB)

NUM_CORES = 2
NUM_SUBCORES = 16
NW = NUM_CORES * NUM_SUBCORES

B_TOTAL = 4096 * 200
B_PER_W = B_TOTAL // NW
CHUNK = 128
N_CHUNKS = B_PER_W // CHUNK
K = 5
N_GROUPS = N_CHUNKS // K


def _emb_body(x_hbm, table_hbm, out_hbm, idx_all, *bufs):
    gbuf = bufs[0:K]
    sbuf = bufs[K:2 * K]
    gsem = bufs[2 * K:3 * K]
    ssem = bufs[3 * K:4 * K]

    wid = lax.axis_index("s") * NUM_CORES + lax.axis_index("c")
    base = wid * B_PER_W

    pltpu.sync_copy(x_hbm.at[pl.ds(base, B_PER_W)], idx_all)

    def gather_copy(g, b):
        idx_c = idx_all.at[pl.ds(g * CHUNK, CHUNK)]
        return pltpu.make_async_copy(table_hbm.at[idx_c], gbuf[b], gsem[b])

    def store_copy(g, b):
        dst = out_hbm.at[pl.ds(base + g * CHUNK, CHUNK)]
        return pltpu.make_async_copy(sbuf[b], dst, ssem[b])

    for b in range(K):
        gather_copy(b, b).start()

    def group_body(p, carry):
        for b in range(K):
            g = p * K + b
            gather_copy(g, b).wait()

            @pl.when(p > 0)
            def _():
                store_copy(g - K, b).wait()

            def row_body(r, c):
                for j in range(D_EMB // 16):
                    sl = pl.ds(j * 16, 16)
                    sbuf[b][r, sl] = gbuf[b][r, sl] * SCALE
                return c

            lax.fori_loop(0, CHUNK, row_body, 0)

            @pl.when(g + K < N_CHUNKS)
            def _():
                gather_copy(g + K, b).start()

            store_copy(g, b).start()
        return carry

    lax.fori_loop(0, N_GROUPS, group_body, 0)

    for b in range(K):
        store_copy(N_CHUNKS - K + b, b).wait()


def kernel(x, table):
    b, s = x.shape
    flat_x = x.reshape((b * s,)).astype(jnp.int32)

    scratch = (
        [pltpu.VMEM((B_PER_W,), jnp.int32)]
        + [pltpu.VMEM((CHUNK, D_EMB), jnp.float32) for _ in range(2 * K)]
        + [pltpu.SemaphoreType.DMA for _ in range(2 * K)]
    )
    mesh = plsc.VectorSubcoreMesh(core_axis_name="c", subcore_axis_name="s")
    emb = functools.partial(
        pl.kernel,
        mesh=mesh,
        out_type=jax.ShapeDtypeStruct((B_TOTAL, D_EMB), jnp.float32),
        scratch_types=scratch,
        compiler_params=pltpu.CompilerParams(use_tc_tiling_on_sc=False),
    )(_emb_body)

    out = emb(flat_x, table)
    return out.reshape((b, s, D_EMB))

# --- scband reference (transcript-rebuilt; emitter-appended) ---
"""Pipeline reference for scband-embedding-17892833755518 (READ-ONLY COPY).

The authoritative reference and input builder live on the scoring server;
editing this copy changes nothing except your own understanding.
"""

import jax, jax.numpy as jnp
import numpy as np
import math

VOCAB = 1000000
D_MODEL = 64

def setup_inputs(seed: int = 0) -> dict:
    key = jax.random.key(seed)
    k1, k2 = jax.random.split(key)
    x = jax.random.randint(k1, (4096, 200), 0, VOCAB, dtype=jnp.int64 if jax.config.jax_enable_x64 else jnp.int32)
    table = jax.random.normal(k2, (VOCAB, D_MODEL), dtype=jnp.float32)
    return {"x": x, "table": table}

def reference(x, table):
    embedded = jnp.take(table, x, axis=0) / math.sqrt(D_MODEL)
    return embedded

if __name__ == "__main__":
    import jax
    _d = setup_inputs()
    print(jax.jit(kernel)(*tuple(_d.values())))

</pallas_src>

<mosaic_0001>
#map = affine_map<(d0, d1) -> (0)>
#map1 = affine_map<(d0, d1) -> (0, 0)>
module attributes {stable_mosaic.version = 14 : i64} {
  func.func @_emb_body(%arg0: i32, %arg1: i32, %arg2: memref<819200xi32, #tpu.memory_space<hbm>>, %arg3: memref<1000000x64xf32, #tpu.memory_space<hbm>>, %arg4: memref<819200x64xf32, #tpu.memory_space<hbm>>, %arg5: memref<25600xi32, #tpu.memory_space<vmem>>, %arg6: memref<128x64xf32, #tpu.memory_space<vmem>>, %arg7: memref<128x64xf32, #tpu.memory_space<vmem>>, %arg8: memref<128x64xf32, #tpu.memory_space<vmem>>, %arg9: memref<128x64xf32, #tpu.memory_space<vmem>>, %arg10: memref<128x64xf32, #tpu.memory_space<vmem>>, %arg11: memref<128x64xf32, #tpu.memory_space<vmem>>, %arg12: memref<128x64xf32, #tpu.memory_space<vmem>>, %arg13: memref<128x64xf32, #tpu.memory_space<vmem>>, %arg14: memref<128x64xf32, #tpu.memory_space<vmem>>, %arg15: memref<128x64xf32, #tpu.memory_space<vmem>>, %arg16: memref<!tpu.dma_semaphore, #tpu.memory_space<semaphore_mem>>, %arg17: memref<!tpu.dma_semaphore, #tpu.memory_space<semaphore_mem>>, %arg18: memref<!tpu.dma_semaphore, #tpu.memory_space<semaphore_mem>>, %arg19: memref<!tpu.dma_semaphore, #tpu.memory_space<semaphore_mem>>, %arg20: memref<!tpu.dma_semaphore, #tpu.memory_space<semaphore_mem>>, %arg21: memref<!tpu.dma_semaphore, #tpu.memory_space<semaphore_mem>>, %arg22: memref<!tpu.dma_semaphore, #tpu.memory_space<semaphore_mem>>, %arg23: memref<!tpu.dma_semaphore, #tpu.memory_space<semaphore_mem>>, %arg24: memref<!tpu.dma_semaphore, #tpu.memory_space<semaphore_mem>>, %arg25: memref<!tpu.dma_semaphore, #tpu.memory_space<semaphore_mem>>) attributes {dimension_semantics = [#tpu.dimension_semantics<core_parallel>, #tpu.dimension_semantics<subcore_parallel>], iteration_bounds = array<i64: 2, 16>, scalar_prefetch = 0 : i64, scratch_operands = 21 : i64, tpu.core_type = #tpu.core_type<sc_vector_subcore>, window_params = [{transform_indices = #map}, {transform_indices = #map1}, {transform_indices = #map1}]} {
    %mul3A = arith.constant 2 : i32
    %mul3A_0 = arith.muli %arg1, %mul3A : i32
    %add3A = arith.addi %mul3A_0, %arg0 : i32
    %mul3A_1 = arith.constant 25600 : i32
    %mul3A_2 = arith.muli %add3A, %mul3A_1 : i32
    "tpu.region"() ({
      %run_scoped3A = tpu.sem_alloc : memref<!tpu.dma_semaphore, #tpu.memory_space<semaphore_mem>>
      %dma_start3A_61 = tpu.memref_slice %arg2[%mul3A_2] : memref<819200xi32, #tpu.memory_space<hbm>> -> memref<25600xi32, #tpu.memory_space<hbm>>
      %dma_start3A_62 = tpu.memref_slice %arg2[%mul3A_2] : memref<819200xi32, #tpu.memory_space<hbm>> -> memref<25600xi32, #tpu.memory_space<hbm>>
      tpu.enqueue_dma source(%dma_start3A_62 : memref<25600xi32, #tpu.memory_space<hbm>>) target(%arg5 : memref<25600xi32, #tpu.memory_space<vmem>>) target_semaphore(%run_scoped3A : memref<!tpu.dma_semaphore, #tpu.memory_space<semaphore_mem>>)
      %dma_wait3A_63 = tpu.memref_slice %arg2[%mul3A_2] : memref<819200xi32, #tpu.memory_space<hbm>> -> memref<25600xi32, #tpu.memory_space<hbm>>
      %dma_wait3A_64 = tpu.memref_slice %arg2[%mul3A_2] : memref<819200xi32, #tpu.memory_space<hbm>> -> memref<25600xi32, #tpu.memory_space<hbm>>
      tpu.wait_dma2 semaphore(%run_scoped3A : memref<!tpu.dma_semaphore, #tpu.memory_space<semaphore_mem>>) src(%dma_wait3A_64 : memref<25600xi32, #tpu.memory_space<hbm>>) dst(%arg5 : memref<25600xi32, #tpu.memory_space<vmem>>)
      tpu.yield
    }) : () -> ()
    %dma_start3A = arith.constant 0 : i32
    %dma_start3A_3 = tpu.memref_slice %arg5[%dma_start3A] : memref<25600xi32, #tpu.memory_space<vmem>> -> memref<128xi32, #tpu.memory_space<vmem>>
    %dma_start3A_4 = arith.constant 0 : i32
    %dma_start3A_5 = arith.constant 0 : i32
    %dma_start3A_6 = tpu.memref_slice %arg3[%dma_start3A_4, %dma_start3A_5] : memref<1000000x64xf32, #tpu.memory_space<hbm>> -> memref<1000000x64xf32, #tpu.memory_space<hbm>>
    tpu.enqueue_indirect_dma source(%dma_start3A_6 : memref<1000000x64xf32, #tpu.memory_space<hbm>>) target(%arg6 : memref<128x64xf32, #tpu.memory_space<vmem>>) offsets(%dma_start3A_3 : memref<128xi32, #tpu.memory_space<vmem>>) semaphore(%arg16 : memref<!tpu.dma_semaphore, #tpu.memory_space<semaphore_mem>>)
    %dma_start3A_7 = arith.constant 128 : i32
    %dma_start3A_8 = tpu.memref_slice %arg5[%dma_start3A_7] : memref<25600xi32, #tpu.memory_space<vmem>> -> memref<128xi32, #tpu.memory_space<vmem>>
    %dma_start3A_9 = arith.constant 0 : i32
    %dma_start3A_10 = arith.constant 0 : i32
    %dma_start3A_11 = tpu.memref_slice %arg3[%dma_start3A_9, %dma_start3A_10] : memref<1000000x64xf32, #tpu.memory_space<hbm>> -> memref<1000000x64xf32, #tpu.memory_space<hbm>>
    tpu.enqueue_indirect_dma source(%dma_start3A_11 : memref<1000000x64xf32, #tpu.memory_space<hbm>>) target(%arg7 : memref<128x64xf32, #tpu.memory_space<vmem>>) offsets(%dma_start3A_8 : memref<128xi32, #tpu.memory_space<vmem>>) semaphore(%arg17 : memref<!tpu.dma_semaphore, #tpu.memory_space<semaphore_mem>>)
    %dma_start3A_12 = arith.constant 256 : i32
    %dma_start3A_13 = tpu.memref_slice %arg5[%dma_start3A_12] : memref<25600xi32, #tpu.memory_space<vmem>> -> memref<128xi32, #tpu.memory_space<vmem>>
    %dma_start3A_14 = arith.constant 0 : i32
    %dma_start3A_15 = arith.constant 0 : i32
    %dma_start3A_16 = tpu.memref_slice %arg3[%dma_start3A_14, %dma_start3A_15] : memref<1000000x64xf32, #tpu.memory_space<hbm>> -> memref<1000000x64xf32, #tpu.memory_space<hbm>>
    tpu.enqueue_indirect_dma source(%dma_start3A_16 : memref<1000000x64xf32, #tpu.memory_space<hbm>>) target(%arg8 : memref<128x64xf32, #tpu.memory_space<vmem>>) offsets(%dma_start3A_13 : memref<128xi32, #tpu.memory_space<vmem>>) semaphore(%arg18 : memref<!tpu.dma_semaphore, #tpu.memory_space<semaphore_mem>>)
    %dma_start3A_17 = arith.constant 384 : i32
    %dma_start3A_18 = tpu.memref_slice %arg5[%dma_start3A_17] : memref<25600xi32, #tpu.memory_space<vmem>> -> memref<128xi32, #tpu.memory_space<vmem>>
    %dma_start3A_19 = arith.constant 0 : i32
    %dma_start3A_20 = arith.constant 0 : i32
    %dma_start3A_21 = tpu.memref_slice %arg3[%dma_start3A_19, %dma_start3A_20] : memref<1000000x64xf32, #tpu.memory_space<hbm>> -> memref<1000000x64xf32, #tpu.memory_space<hbm>>
    tpu.enqueue_indirect_dma source(%dma_start3A_21 : memref<1000000x64xf32, #tpu.memory_space<hbm>>) target(%arg9 : memref<128x64xf32, #tpu.memory_space<vmem>>) offsets(%dma_start3A_18 : memref<128xi32, #tpu.memory_space<vmem>>) semaphore(%arg19 : memref<!tpu.dma_semaphore, #tpu.memory_space<semaphore_mem>>)
    %dma_start3A_22 = arith.constant 512 : i32
    %dma_start3A_23 = tpu.memref_slice %arg5[%dma_start3A_22] : memref<25600xi32, #tpu.memory_space<vmem>> -> memref<128xi32, #tpu.memory_space<vmem>>
    %dma_start3A_24 = arith.constant 0 : i32
    %dma_start3A_25 = arith.constant 0 : i32
    %dma_start3A_26 = tpu.memref_slice %arg3[%dma_start3A_24, %dma_start3A_25] : memref<1000000x64xf32, #tpu.memory_space<hbm>> -> memref<1000000x64xf32, #tpu.memory_space<hbm>>
    tpu.enqueue_indirect_dma source(%dma_start3A_26 : memref<1000000x64xf32, #tpu.memory_space<hbm>>) target(%arg10 : memref<128x64xf32, #tpu.memory_space<vmem>>) offsets(%dma_start3A_23 : memref<128xi32, #tpu.memory_space<vmem>>) semaphore(%arg20 : memref<!tpu.dma_semaphore, #tpu.memory_space<semaphore_mem>>)
    %scan3A = arith.constant 0 : i32
    %scan3A_27 = arith.constant 0 : i32
    %scan3A_28 = arith.constant 40 : i32
    %scan3A_29 = arith.addi %scan3A_27, %scan3A_28 : i32
    %scan3A_30 = arith.constant 1 : i32
    scf.for %scan3A_61 = %scan3A_27 to %scan3A_29 step %scan3A_30  : i32 {
      %mul3A_62 = arith.constant 5 : i32
      %mul3A_63 = arith.muli %scan3A_61, %mul3A_62 : i32
      %add3A_64 = arith.constant 0 : i32
      %add3A_65 = arith.addi %mul3A_63, %add3A_64 : i32
      %mul3A_66 = arith.constant 128 : i32
      %mul3A_67 = arith.muli %add3A_65, %mul3A_66 : i32
      %dma_wait3A_68 = tpu.memref_slice %arg5[%mul3A_67] : memref<25600xi32, #tpu.memory_space<vmem>> -> memref<128xi32, #tpu.memory_space<vmem>>
      %dma_wait3A_69 = arith.constant 0 : i32
      %dma_wait3A_70 = arith.constant 0 : i32
      %dma_wait3A_71 = tpu.memref_slice %arg3[%dma_wait3A_69, %dma_wait3A_70] : memref<1000000x64xf32, #tpu.memory_space<hbm>> -> memref<1000000x64xf32, #tpu.memory_space<hbm>>
      tpu.wait_indirect_dma semaphore(%arg16 : memref<!tpu.dma_semaphore, #tpu.memory_space<semaphore_mem>>) src(%dma_wait3A_71 : memref<1000000x64xf32, #tpu.memory_space<hbm>>) dst(%arg6 : memref<128x64xf32, #tpu.memory_space<vmem>>)
      %gt3A = arith.constant 0 : i32
      %gt3A_72 = arith.cmpi sgt, %scan3A_61, %gt3A : i32
      %convert_element_type3A = arith.extui %gt3A_72 : i1 to i32
      %cond3A = arith.constant 0 : i32
      %cond3A_73 = arith.cmpi ne, %convert_element_type3A, %cond3A : i32
      scf.if %cond3A_73 {
        %sub3A = arith.constant 5 : i32
        %sub3A_233 = arith.subi %add3A_65, %sub3A : i32
        %mul3A_234 = arith.constant 128 : i32
        %mul3A_235 = arith.muli %sub3A_233, %mul3A_234 : i32
        %add3A_236 = arith.addi %mul3A_2, %mul3A_235 : i32
        %dma_wait3A_237 = arith.constant 0 : i32
        %dma_wait3A_238 = tpu.memref_slice %arg4[%add3A_236, %dma_wait3A_237] : memref<819200x64xf32, #tpu.memory_space<hbm>> -> memref<128x64xf32, #tpu.memory_space<hbm>>
        %dma_wait3A_239 = arith.constant 0 : i32
        %dma_wait3A_240 = tpu.memref_slice %arg4[%add3A_236, %dma_wait3A_239] : memref<819200x64xf32, #tpu.memory_space<hbm>> -> memref<128x64xf32, #tpu.memory_space<hbm>>
        tpu.wait_dma2 semaphore(%arg21 : memref<!tpu.dma_semaphore, #tpu.memory_space<semaphore_mem>>) src(%arg11 : memref<128x64xf32, #tpu.memory_space<vmem>>) dst(%dma_wait3A_240 : memref<128x64xf32, #tpu.memory_space<hbm>>)
      } else {
      }
      %scan3A_74 = arith.constant 0 : i32
      %scan3A_75 = arith.constant 0 : i32
      %scan3A_76 = arith.constant 128 : i32
      %scan3A_77 = arith.addi %scan3A_75, %scan3A_76 : i32
      %scan3A_78 = arith.constant 1 : i32
      scf.for %scan3A_233 = %scan3A_75 to %scan3A_77 step %scan3A_78  : i32 {
        %get3A = arith.index_cast %scan3A_233 : i32 to index
        %get3A_234 = arith.constant 0 : index
        %get3A_235 = tpu.vector_load %arg6[%get3A, %get3A_234] {strides = array<i32>} : memref<128x64xf32, #tpu.memory_space<vmem>>, vector<1x16xf32>,
        %get3A_236 = vector.shape_cast %get3A_235 : vector<1x16xf32> to vector<16xf32>
        %mul3A_237 = arith.constant 1.250000e-01 : f32
        %mul3A_238 = vector.broadcast %mul3A_237 : f32 to vector<16xf32>
        %mul3A_239 = arith.mulf %get3A_236, %mul3A_238 : vector<16xf32>
        %swap3A = arith.index_cast %scan3A_233 : i32 to index
        %swap3A_240 = arith.constant 0 : index
        %swap3A_241 = tpu.vector_load %arg11[%swap3A, %swap3A_240] {strides = array<i32>} : memref<128x64xf32, #tpu.memory_space<vmem>>, vector<1x16xf32>,
        %swap3A_242 = vector.shape_cast %swap3A_241 : vector<1x16xf32> to vector<16xf32>
        %swap3A_243 = vector.shape_cast %mul3A_239 : vector<16xf32> to vector<1x16xf32>
        tpu.vector_store %arg11[%swap3A, %swap3A_240], %swap3A_243 {strides = array<i32>} : memref<128x64xf32, #tpu.memory_space<vmem>>, vector<1x16xf32>,
        %get3A_244 = arith.index_cast %scan3A_233 : i32 to index
        %get3A_245 = arith.constant 16 : index
        %get3A_246 = tpu.vector_load %arg6[%get3A_244, %get3A_245] {strides = array<i32>} : memref<128x64xf32, #tpu.memory_space<vmem>>, vector<1x16xf32>,
        %get3A_247 = vector.shape_cast %get3A_246 : vector<1x16xf32> to vector<16xf32>
        %mul3A_248 = arith.constant 1.250000e-01 : f32
        %mul3A_249 = vector.broadcast %mul3A_248 : f32 to vector<16xf32>
        %mul3A_250 = arith.mulf %get3A_247, %mul3A_249 : vector<16xf32>
        %swap3A_251 = arith.index_cast %scan3A_233 : i32 to index
        %swap3A_252 = arith.constant 16 : index
        %swap3A_253 = tpu.vector_load %arg11[%swap3A_251, %swap3A_252] {strides = array<i32>} : memref<128x64xf32, #tpu.memory_space<vmem>>, vector<1x16xf32>,
        %swap3A_254 = vector.shape_cast %swap3A_253 : vector<1x16xf32> to vector<16xf32>
        %swap3A_255 = vector.shape_cast %mul3A_250 : vector<16xf32> to vector<1x16xf32>
        tpu.vector_store %arg11[%swap3A_251, %swap3A_252], %swap3A_255 {strides = array<i32>} : memref<128x64xf32, #tpu.memory_space<vmem>>, vector<1x16xf32>,
        %get3A_256 = arith.index_cast %scan3A_233 : i32 to index
        %get3A_257 = arith.constant 32 : index
        %get3A_258 = tpu.vector_load %arg6[%get3A_256, %get3A_257] {strides = array<i32>} : memref<128x64xf32, #tpu.memory_space<vmem>>, vector<1x16xf32>,
        %get3A_259 = vector.shape_cast %get3A_258 : vector<1x16xf32> to vector<16xf32>
        %mul3A_260 = arith.constant 1.250000e-01 : f32
        %mul3A_261 = vector.broadcast %mul3A_260 : f32 to vector<16xf32>
        %mul3A_262 = arith.mulf %get3A_259, %mul3A_261 : vector<16xf32>
        %swap3A_263 = arith.index_cast %scan3A_233 : i32 to index
        %swap3A_264 = arith.constant 32 : index
        %swap3A_265 = tpu.vector_load %arg11[%swap3A_263, %swap3A_264] {strides = array<i32>} : memref<128x64xf32, #tpu.memory_space<vmem>>, vector<1x16xf32>,
        %swap3A_266 = vector.shape_cast %swap3A_265 : vector<1x16xf32> to vector<16xf32>
        %swap3A_267 = vector.shape_cast %mul3A_262 : vector<16xf32> to vector<1x16xf32>
        tpu.vector_store %arg11[%swap3A_263, %swap3A_264], %swap3A_267 {strides = array<i32>} : memref<128x64xf32, #tpu.memory_space<vmem>>, vector<1x16xf32>,
        %get3A_268 = arith.index_cast %scan3A_233 : i32 to index
        %get3A_269 = arith.constant 48 : index
        %get3A_270 = tpu.vector_load %arg6[%get3A_268, %get3A_269] {strides = array<i32>} : memref<128x64xf32, #tpu.memory_space<vmem>>, vector<1x16xf32>,
        %get3A_271 = vector.shape_cast %get3A_270 : vector<1x16xf32> to vector<16xf32>
        %mul3A_272 = arith.constant 1.250000e-01 : f32
        %mul3A_273 = vector.broadcast %mul3A_272 : f32 to vector<16xf32>
        %mul3A_274 = arith.mulf %get3A_271, %mul3A_273 : vector<16xf32>
        %swap3A_275 = arith.index_cast %scan3A_233 : i32 to index
        %swap3A_276 = arith.constant 48 : index
        %swap3A_277 = tpu.vector_load %arg11[%swap3A_275, %swap3A_276] {strides = array<i32>} : memref<128x64xf32, #tpu.memory_space<vmem>>, vector<1x16xf32>,
        %swap3A_278 = vector.shape_cast %swap3A_277 : vector<1x16xf32> to vector<16xf32>
        %swap3A_279 = vector.shape_cast %mul3A_274 : vector<16xf32> to vector<1x16xf32>
        tpu.vector_store %arg11[%swap3A_275, %swap3A_276], %swap3A_279 {strides = array<i32>} : memref<128x64xf32, #tpu.memory_space<vmem>>, vector<1x16xf32>,
      }
      %scan3A_79 = arith.constant 128 : i32
      %add3A_80 = arith.constant 5 : i32
      %add3A_81 = arith.addi %add3A_65, %add3A_80 : i32
      %lt3A = arith.constant 200 : i32
      %lt3A_82 = arith.cmpi slt, %add3A_81, %lt3A : i32
      %convert_element_type3A_83 = arith.extui %lt3A_82 : i1 to i32
      %cond3A_84 = arith.constant 0 : i32
      %cond3A_85 = arith.cmpi ne, %convert_element_type3A_83, %cond3A_84 : i32
      scf.if %cond3A_85 {
        %add3A_233 = arith.constant 5 : i32
        %add3A_234 = arith.addi %add3A_65, %add3A_233 : i32
        %mul3A_235 = arith.constant 128 : i32
        %mul3A_236 = arith.muli %add3A_234, %mul3A_235 : i32
        %dma_start3A_237 = tpu.memref_slice %arg5[%mul3A_236] : memref<25600xi32, #tpu.memory_space<vmem>> -> memref<128xi32, #tpu.memory_space<vmem>>
        %dma_start3A_238 = arith.constant 0 : i32
        %dma_start3A_239 = arith.constant 0 : i32
        %dma_start3A_240 = tpu.memref_slice %arg3[%dma_start3A_238, %dma_start3A_239] : memref<1000000x64xf32, #tpu.memory_space<hbm>> -> memref<1000000x64xf32, #tpu.memory_space<hbm>>
        tpu.enqueue_indirect_dma source(%dma_start3A_240 : memref<1000000x64xf32, #tpu.memory_space<hbm>>) target(%arg6 : memref<128x64xf32, #tpu.memory_space<vmem>>) offsets(%dma_start3A_237 : memref<128xi32, #tpu.memory_space<vmem>>) semaphore(%arg16 : memref<!tpu.dma_semaphore, #tpu.memory_space<semaphore_mem>>)
      } else {
      }
      %mul3A_86 = arith.constant 128 : i32
      %mul3A_87 = arith.muli %add3A_65, %mul3A_86 : i32
      %add3A_88 = arith.addi %mul3A_2, %mul3A_87 : i32
      %dma_start3A_89 = arith.constant 0 : i32
      %dma_start3A_90 = tpu.memref_slice %arg4[%add3A_88, %dma_start3A_89] : memref<819200x64xf32, #tpu.memory_space<hbm>> -> memref<128x64xf32, #tpu.memory_space<hbm>>
      %dma_start3A_91 = arith.constant 0 : i32
      %dma_start3A_92 = tpu.memref_slice %arg4[%add3A_88, %dma_start3A_91] : memref<819200x64xf32, #tpu.memory_space<hbm>> -> memref<128x64xf32, #tpu.memory_space<hbm>>
      tpu.enqueue_dma source(%arg11 : memref<128x64xf32, #tpu.memory_space<vmem>>) target(%dma_start3A_92 : memref<128x64xf32, #tpu.memory_space<hbm>>) target_semaphore(%arg21 : memref<!tpu.dma_semaphore, #tpu.memory_space<semaphore_mem>>)
      %mul3A_93 = arith.constant 5 : i32
      %mul3A_94 = arith.muli %scan3A_61, %mul3A_93 : i32
      %add3A_95 = arith.constant 1 : i32
      %add3A_96 = arith.addi %mul3A_94, %add3A_95 : i32
      %mul3A_97 = arith.constant 128 : i32
      %mul3A_98 = arith.muli %add3A_96, %mul3A_97 : i32
      %dma_wait3A_99 = tpu.memref_slice %arg5[%mul3A_98] : memref<25600xi32, #tpu.memory_space<vmem>> -> memref<128xi32, #tpu.memory_space<vmem>>
      %dma_wait3A_100 = arith.constant 0 : i32
      %dma_wait3A_101 = arith.constant 0 : i32
      %dma_wait3A_102 = tpu.memref_slice %arg3[%dma_wait3A_100, %dma_wait3A_101] : memref<1000000x64xf32, #tpu.memory_space<hbm>> -> memref<1000000x64xf32, #tpu.memory_space<hbm>>
      tpu.wait_indirect_dma semaphore(%arg17 : memref<!tpu.dma_semaphore, #tpu.memory_space<semaphore_mem>>) src(%dma_wait3A_102 : memref<1000000x64xf32, #tpu.memory_space<hbm>>) dst(%arg7 : memref<128x64xf32, #tpu.memory_space<vmem>>)
      %gt3A_103 = arith.constant 0 : i32
      %gt3A_104 = arith.cmpi sgt, %scan3A_61, %gt3A_103 : i32
      %convert_element_type3A_105 = arith.extui %gt3A_104 : i1 to i32
      %cond3A_106 = arith.constant 0 : i32
      %cond3A_107 = arith.cmpi ne, %convert_element_type3A_105, %cond3A_106 : i32
      scf.if %cond3A_107 {
        %sub3A = arith.constant 5 : i32
        %sub3A_233 = arith.subi %add3A_96, %sub3A : i32
        %mul3A_234 = arith.constant 128 : i32
        %mul3A_235 = arith.muli %sub3A_233, %mul3A_234 : i32
        %add3A_236 = arith.addi %mul3A_2, %mul3A_235 : i32
        %dma_wait3A_237 = arith.constant 0 : i32
        %dma_wait3A_238 = tpu.memref_slice %arg4[%add3A_236, %dma_wait3A_237] : memref<819200x64xf32, #tpu.memory_space<hbm>> -> memref<128x64xf32, #tpu.memory_space<hbm>>
        %dma_wait3A_239 = arith.constant 0 : i32
        %dma_wait3A_240 = tpu.memref_slice %arg4[%add3A_236, %dma_wait3A_239] : memref<819200x64xf32, #tpu.memory_space<hbm>> -> memref<128x64xf32, #tpu.memory_space<hbm>>
        tpu.wait_dma2 semaphore(%arg22 : memref<!tpu.dma_semaphore, #tpu.memory_space<semaphore_mem>>) src(%arg12 : memref<128x64xf32, #tpu.memory_space<vmem>>) dst(%dma_wait3A_240 : memref<128x64xf32, #tpu.memory_space<hbm>>)
      } else {
      }
      %scan3A_108 = arith.constant 0 : i32
      %scan3A_109 = arith.constant 0 : i32
      %scan3A_110 = arith.constant 128 : i32
      %scan3A_111 = arith.addi %scan3A_109, %scan3A_110 : i32
      %scan3A_112 = arith.constant 1 : i32
      scf.for %scan3A_233 = %scan3A_109 to %scan3A_111 step %scan3A_112  : i32 {
        %get3A = arith.index_cast %scan3A_233 : i32 to index
        %get3A_234 = arith.constant 0 : index
        %get3A_235 = tpu.vector_load %arg7[%get3A, %get3A_234] {strides = array<i32>} : memref<128x64xf32, #tpu.memory_space<vmem>>, vector<1x16xf32>,
        %get3A_236 = vector.shape_cast %get3A_235 : vector<1x16xf32> to vector<16xf32>
        %mul3A_237 = arith.constant 1.250000e-01 : f32
        %mul3A_238 = vector.broadcast %mul3A_237 : f32 to vector<16xf32>
        %mul3A_239 = arith.mulf %get3A_236, %mul3A_238 : vector<16xf32>
        %swap3A = arith.index_cast %scan3A_233 : i32 to index
        %swap3A_240 = arith.constant 0 : index
        %swap3A_241 = tpu.vector_load %arg12[%swap3A, %swap3A_240] {strides = array<i32>} : memref<128x64xf32, #tpu.memory_space<vmem>>, vector<1x16xf32>,
        %swap3A_242 = vector.shape_cast %swap3A_241 : vector<1x16xf32> to vector<16xf32>
        %swap3A_243 = vector.shape_cast %mul3A_239 : vector<16xf32> to vector<1x16xf32>
        tpu.vector_store %arg12[%swap3A, %swap3A_240], %swap3A_243 {strides = array<i32>} : memref<128x64xf32, #tpu.memory_space<vmem>>, vector<1x16xf32>,
        %get3A_244 = arith.index_cast %scan3A_233 : i32 to index
        %get3A_245 = arith.constant 16 : index
        %get3A_246 = tpu.vector_load %arg7[%get3A_244, %get3A_245] {strides = array<i32>} : memref<128x64xf32, #tpu.memory_space<vmem>>, vector<1x16xf32>,
        %get3A_247 = vector.shape_cast %get3A_246 : vector<1x16xf32> to vector<16xf32>
        %mul3A_248 = arith.constant 1.250000e-01 : f32
        %mul3A_249 = vector.broadcast %mul3A_248 : f32 to vector<16xf32>
        %mul3A_250 = arith.mulf %get3A_247, %mul3A_249 : vector<16xf32>
        %swap3A_251 = arith.index_cast %scan3A_233 : i32 to index
        %swap3A_252 = arith.constant 16 : index
        %swap3A_253 = tpu.vector_load %arg12[%swap3A_251, %swap3A_252] {strides = array<i32>} : memref<128x64xf32, #tpu.memory_space<vmem>>, vector<1x16xf32>,
        %swap3A_254 = vector.shape_cast %swap3A_253 : vector<1x16xf32> to vector<16xf32>
        %swap3A_255 = vector.shape_cast %mul3A_250 : vector<16xf32> to vector<1x16xf32>
        tpu.vector_store %arg12[%swap3A_251, %swap3A_252], %swap3A_255 {strides = array<i32>} : memref<128x64xf32, #tpu.memory_space<vmem>>, vector<1x16xf32>,
        %get3A_256 = arith.index_cast %scan3A_233 : i32 to index
        %get3A_257 = arith.constant 32 : index
        %get3A_258 = tpu.vector_load %arg7[%get3A_256, %get3A_257] {strides = array<i32>} : memref<128x64xf32, #tpu.memory_space<vmem>>, vector<1x16xf32>,
        %get3A_259 = vector.shape_cast %get3A_258 : vector<1x16xf32> to vector<16xf32>
        %mul3A_260 = arith.constant 1.250000e-01 : f32
        %mul3A_261 = vector.broadcast %mul3A_260 : f32 to vector<16xf32>
        %mul3A_262 = arith.mulf %get3A_259, %mul3A_261 : vector<16xf32>
        %swap3A_263 = arith.index_cast %scan3A_233 : i32 to index
        %swap3A_264 = arith.constant 32 : index
        %swap3A_265 = tpu.vector_load %arg12[%swap3A_263, %swap3A_264] {strides = array<i32>} : memref<128x64xf32, #tpu.memory_space<vmem>>, vector<1x16xf32>,
        %swap3A_266 = vector.shape_cast %swap3A_265 : vector<1x16xf32> to vector<16xf32>
        %swap3A_267 = vector.shape_cast %mul3A_262 : vector<16xf32> to vector<1x16xf32>
        tpu.vector_store %arg12[%swap3A_263, %swap3A_264], %swap3A_267 {strides = array<i32>} : memref<128x64xf32, #tpu.memory_space<vmem>>, vector<1x16xf32>,
        %get3A_268 = arith.index_cast %scan3A_233 : i32 to index
        %get3A_269 = arith.constant 48 : index
        %get3A_270 = tpu.vector_load %arg7[%get3A_268, %get3A_269] {strides = array<i32>} : memref<128x64xf32, #tpu.memory_space<vmem>>, vector<1x16xf32>,
        %get3A_271 = vector.shape_cast %get3A_270 : vector<1x16xf32> to vector<16xf32>
        %mul3A_272 = arith.constant 1.250000e-01 : f32
        %mul3A_273 = vector.broadcast %mul3A_272 : f32 to vector<16xf32>
        %mul3A_274 = arith.mulf %get3A_271, %mul3A_273 : vector<16xf32>
        %swap3A_275 = arith.index_cast %scan3A_233 : i32 to index
        %swap3A_276 = arith.constant 48 : index
        %swap3A_277 = tpu.vector_load %arg12[%swap3A_275, %swap3A_276] {strides = array<i32>} : memref<128x64xf32, #tpu.memory_space<vmem>>, vector<1x16xf32>,
        %swap3A_278 = vector.shape_cast %swap3A_277 : vector<1x16xf32> to vector<16xf32>
        %swap3A_279 = vector.shape_cast %mul3A_274 : vector<16xf32> to vector<1x16xf32>
        tpu.vector_store %arg12[%swap3A_275, %swap3A_276], %swap3A_279 {strides = array<i32>} : memref<128x64xf32, #tpu.memory_space<vmem>>, vector<1x16xf32>,
      }
      %scan3A_113 = arith.constant 128 : i32
      %add3A_114 = arith.constant 5 : i32
      %add3A_115 = arith.addi %add3A_96, %add3A_114 : i32
      %lt3A_116 = arith.constant 200 : i32
      %lt3A_117 = arith.cmpi slt, %add3A_115, %lt3A_116 : i32
      %convert_element_type3A_118 = arith.extui %lt3A_117 : i1 to i32
      %cond3A_119 = arith.constant 0 : i32
      %cond3A_120 = arith.cmpi ne, %convert_element_type3A_118, %cond3A_119 : i32
      scf.if %cond3A_120 {
        %add3A_233 = arith.constant 5 : i32
        %add3A_234 = arith.addi %add3A_96, %add3A_233 : i32
        %mul3A_235 = arith.constant 128 : i32
        %mul3A_236 = arith.muli %add3A_234, %mul3A_235 : i32
        %dma_start3A_237 = tpu.memref_slice %arg5[%mul3A_236] : memref<25600xi32, #tpu.memory_space<vmem>> -> memref<128xi32, #tpu.memory_space<vmem>>
        %dma_start3A_238 = arith.constant 0 : i32
        %dma_start3A_239 = arith.constant 0 : i32
        %dma_start3A_240 = tpu.memref_slice %arg3[%dma_start3A_238, %dma_start3A_239] : memref<1000000x64xf32, #tpu.memory_space<hbm>> -> memref<1000000x64xf32, #tpu.memory_space<hbm>>
        tpu.enqueue_indirect_dma source(%dma_start3A_240 : memref<1000000x64xf32, #tpu.memory_space<hbm>>) target(%arg7 : memref<128x64xf32, #tpu.memory_space<vmem>>) offsets(%dma_start3A_237 : memref<128xi32, #tpu.memory_space<vmem>>) semaphore(%arg17 : memref<!tpu.dma_semaphore, #tpu.memory_space<semaphore_mem>>)
      } else {
      }
      %mul3A_121 = arith.constant 128 : i32
      %mul3A_122 = arith.muli %add3A_96, %mul3A_121 : i32
      %add3A_123 = arith.addi %mul3A_2, %mul3A_122 : i32
      %dma_start3A_124 = arith.constant 0 : i32
      %dma_start3A_125 = tpu.memref_slice %arg4[%add3A_123, %dma_start3A_124] : memref<819200x64xf32, #tpu.memory_space<hbm>> -> memref<128x64xf32, #tpu.memory_space<hbm>>
      %dma_start3A_126 = arith.constant 0 : i32
      %dma_start3A_127 = tpu.memref_slice %arg4[%add3A_123, %dma_start3A_126] : memref<819200x64xf32, #tpu.memory_space<hbm>> -> memref<128x64xf32, #tpu.memory_space<hbm>>
      tpu.enqueue_dma source(%arg12 : memref<128x64xf32, #tpu.memory_space<vmem>>) target(%dma_start3A_127 : memref<128x64xf32, #tpu.memory_space<hbm>>) target_semaphore(%arg22 : memref<!tpu.dma_semaphore, #tpu.memory_space<semaphore_mem>>)
      %mul3A_128 = arith.constant 5 : i32
      %mul3A_129 = arith.muli %scan3A_61, %mul3A_128 : i32
      %add3A_130 = arith.constant 2 : i32
      %add3A_131 = arith.addi %mul3A_129, %add3A_130 : i32
      %mul3A_132 = arith.constant 128 : i32
      %mul3A_133 = arith.muli %add3A_131, %mul3A_132 : i32
      %dma_wait3A_134 = tpu.memref_slice %arg5[%mul3A_133] : memref<25600xi32, #tpu.memory_space<vmem>> -> memref<128xi32, #tpu.memory_space<vmem>>
      %dma_wait3A_135 = arith.constant 0 : i32
      %dma_wait3A_136 = arith.constant 0 : i32
      %dma_wait3A_137 = tpu.memref_slice %arg3[%dma_wait3A_135, %dma_wait3A_136] : memref<1000000x64xf32, #tpu.memory_space<hbm>> -> memref<1000000x64xf32, #tpu.memory_space<hbm>>
      tpu.wait_indirect_dma semaphore(%arg18 : memref<!tpu.dma_semaphore, #tpu.memory_space<semaphore_mem>>) src(%dma_wait3A_137 : memref<1000000x64xf32, #tpu.memory_space<hbm>>) dst(%arg8 : memref<128x64xf32, #tpu.memory_space<vmem>>)
      %gt3A_138 = arith.constant 0 : i32
      %gt3A_139 = arith.cmpi sgt, %scan3A_61, %gt3A_138 : i32
      %convert_element_type3A_140 = arith.extui %gt3A_139 : i1 to i32
      %cond3A_141 = arith.constant 0 : i32
      %cond3A_142 = arith.cmpi ne, %convert_element_type3A_140, %cond3A_141 : i32
      scf.if %cond3A_142 {
        %sub3A = arith.constant 5 : i32
        %sub3A_233 = arith.subi %add3A_131, %sub3A : i32
        %mul3A_234 = arith.constant 128 : i32
        %mul3A_235 = arith.muli %sub3A_233, %mul3A_234 : i32
        %add3A_236 = arith.addi %mul3A_2, %mul3A_235 : i32
        %dma_wait3A_237 = arith.constant 0 : i32
        %dma_wait3A_238 = tpu.memref_slice %arg4[%add3A_236, %dma_wait3A_237] : memref<819200x64xf32, #tpu.memory_space<hbm>> -> memref<128x64xf32, #tpu.memory_space<hbm>>
        %dma_wait3A_239 = arith.constant 0 : i32
        %dma_wait3A_240 = tpu.memref_slice %arg4[%add3A_236, %dma_wait3A_239] : memref<819200x64xf32, #tpu.memory_space<hbm>> -> memref<128x64xf32, #tpu.memory_space<hbm>>
        tpu.wait_dma2 semaphore(%arg23 : memref<!tpu.dma_semaphore, #tpu.memory_space<semaphore_mem>>) src(%arg13 : memref<128x64xf32, #tpu.memory_space<vmem>>) dst(%dma_wait3A_240 : memref<128x64xf32, #tpu.memory_space<hbm>>)
      } else {
      }
      %scan3A_143 = arith.constant 0 : i32
      %scan3A_144 = arith.constant 0 : i32
      %scan3A_145 = arith.constant 128 : i32
      %scan3A_146 = arith.addi %scan3A_144, %scan3A_145 : i32
      %scan3A_147 = arith.constant 1 : i32
      scf.for %scan3A_233 = %scan3A_144 to %scan3A_146 step %scan3A_147  : i32 {
        %get3A = arith.index_cast %scan3A_233 : i32 to index
        %get3A_234 = arith.constant 0 : index
        %get3A_235 = tpu.vector_load %arg8[%get3A, %get3A_234] {strides = array<i32>} : memref<128x64xf32, #tpu.memory_space<vmem>>, vector<1x16xf32>,
        %get3A_236 = vector.shape_cast %get3A_235 : vector<1x16xf32> to vector<16xf32>
        %mul3A_237 = arith.constant 1.250000e-01 : f32
        %mul3A_238 = vector.broadcast %mul3A_237 : f32 to vector<16xf32>
        %mul3A_239 = arith.mulf %get3A_236, %mul3A_238 : vector<16xf32>
        %swap3A = arith.index_cast %scan3A_233 : i32 to index
        %swap3A_240 = arith.constant 0 : index
        %swap3A_241 = tpu.vector_load %arg13[%swap3A, %swap3A_240] {strides = array<i32>} : memref<128x64xf32, #tpu.memory_space<vmem>>, vector<1x16xf32>,
        %swap3A_242 = vector.shape_cast %swap3A_241 : vector<1x16xf32> to vector<16xf32>
        %swap3A_243 = vector.shape_cast %mul3A_239 : vector<16xf32> to vector<1x16xf32>
        tpu.vector_store %arg13[%swap3A, %swap3A_240], %swap3A_243 {strides = array<i32>} : memref<128x64xf32, #tpu.memory_space<vmem>>, vector<1x16xf32>,
        %get3A_244 = arith.index_cast %scan3A_233 : i32 to index
        %get3A_245 = arith.constant 16 : index
        %get3A_246 = tpu.vector_load %arg8[%get3A_244, %get3A_245] {strides = array<i32>} : memref<128x64xf32, #tpu.memory_space<vmem>>, vector<1x16xf32>,
        %get3A_247 = vector.shape_cast %get3A_246 : vector<1x16xf32> to vector<16xf32>
        %mul3A_248 = arith.constant 1.250000e-01 : f32
        %mul3A_249 = vector.broadcast %mul3A_248 : f32 to vector<16xf32>
        %mul3A_250 = arith.mulf %get3A_247, %mul3A_249 : vector<16xf32>
        %swap3A_251 = arith.index_cast %scan3A_233 : i32 to index
        %swap3A_252 = arith.constant 16 : index
        %swap3A_253 = tpu.vector_load %arg13[%swap3A_251, %swap3A_252] {strides = array<i32>} : memref<128x64xf32, #tpu.memory_space<vmem>>, vector<1x16xf32>,
        %swap3A_254 = vector.shape_cast %swap3A_253 : vector<1x16xf32> to vector<16xf32>
        %swap3A_255 = vector.shape_cast %mul3A_250 : vector<16xf32> to vector<1x16xf32>
        tpu.vector_store %arg13[%swap3A_251, %swap3A_252], %swap3A_255 {strides = array<i32>} : memref<128x64xf32, #tpu.memory_space<vmem>>, vector<1x16xf32>,
        %get3A_256 = arith.index_cast %scan3A_233 : i32 to index
        %get3A_257 = arith.constant 32 : index
        %get3A_258 = tpu.vector_load %arg8[%get3A_256, %get3A_257] {strides = array<i32>} : memref<128x64xf32, #tpu.memory_space<vmem>>, vector<1x16xf32>,
        %get3A_259 = vector.shape_cast %get3A_258 : vector<1x16xf32> to vector<16xf32>
        %mul3A_260 = arith.constant 1.250000e-01 : f32
        %mul3A_261 = vector.broadcast %mul3A_260 : f32 to vector<16xf32>
        %mul3A_262 = arith.mulf %get3A_259, %mul3A_261 : vector<16xf32>
        %swap3A_263 = arith.index_cast %scan3A_233 : i32 to index
        %swap3A_264 = arith.constant 32 : index
        %swap3A_265 = tpu.vector_load %arg13[%swap3A_263, %swap3A_264] {strides = array<i32>} : memref<128x64xf32, #tpu.memory_space<vmem>>, vector<1x16xf32>,
        %swap3A_266 = vector.shape_cast %swap3A_265 : vector<1x16xf32> to vector<16xf32>
        %swap3A_267 = vector.shape_cast %mul3A_262 : vector<16xf32> to vector<1x16xf32>
        tpu.vector_store %arg13[%swap3A_263, %swap3A_264], %swap3A_267 {strides = array<i32>} : memref<128x64xf32, #tpu.memory_space<vmem>>, vector<1x16xf32>,
        %get3A_268 = arith.index_cast %scan3A_233 : i32 to index
        %get3A_269 = arith.constant 48 : index
        %get3A_270 = tpu.vector_load %arg8[%get3A_268, %get3A_269] {strides = array<i32>} : memref<128x64xf32, #tpu.memory_space<vmem>>, vector<1x16xf32>,
        %get3A_271 = vector.shape_cast %get3A_270 : vector<1x16xf32> to vector<16xf32>
        %mul3A_272 = arith.constant 1.250000e-01 : f32
        %mul3A_273 = vector.broadcast %mul3A_272 : f32 to vector<16xf32>
        %mul3A_274 = arith.mulf %get3A_271, %mul3A_273 : vector<16xf32>
        %swap3A_275 = arith.index_cast %scan3A_233 : i32 to index
        %swap3A_276 = arith.constant 48 : index
        %swap3A_277 = tpu.vector_load %arg13[%swap3A_275, %swap3A_276] {strides = array<i32>} : memref<128x64xf32, #tpu.memory_space<vmem>>, vector<1x16xf32>,
        %swap3A_278 = vector.shape_cast %swap3A_277 : vector<1x16xf32> to vector<16xf32>
        %swap3A_279 = vector.shape_cast %mul3A_274 : vector<16xf32> to vector<1x16xf32>
        tpu.vector_store %arg13[%swap3A_275, %swap3A_276], %swap3A_279 {strides = array<i32>} : memref<128x64xf32, #tpu.memory_space<vmem>>, vector<1x16xf32>,
      }
      %scan3A_148 = arith.constant 128 : i32
      %add3A_149 = arith.constant 5 : i32
      %add3A_150 = arith.addi %add3A_131, %add3A_149 : i32
      %lt3A_151 = arith.constant 200 : i32
      %lt3A_152 = arith.cmpi slt, %add3A_150, %lt3A_151 : i32
      %convert_element_type3A_153 = arith.extui %lt3A_152 : i1 to i32
      %cond3A_154 = arith.constant 0 : i32
      %cond3A_155 = arith.cmpi ne, %convert_element_type3A_153, %cond3A_154 : i32
      scf.if %cond3A_155 {
        %add3A_233 = arith.constant 5 : i32
        %add3A_234 = arith.addi %add3A_131, %add3A_233 : i32
        %mul3A_235 = arith.constant 128 : i32
        %mul3A_236 = arith.muli %add3A_234, %mul3A_235 : i32
        %dma_start3A_237 = tpu.memref_slice %arg5[%mul3A_236] : memref<25600xi32, #tpu.memory_space<vmem>> -> memref<128xi32, #tpu.memory_space<vmem>>
        %dma_start3A_238 = arith.constant 0 : i32
        %dma_start3A_239 = arith.constant 0 : i32
        %dma_start3A_240 = tpu.memref_slice %arg3[%dma_start3A_238, %dma_start3A_239] : memref<1000000x64xf32, #tpu.memory_space<hbm>> -> memref<1000000x64xf32, #tpu.memory_space<hbm>>
        tpu.enqueue_indirect_dma source(%dma_start3A_240 : memref<1000000x64xf32, #tpu.memory_space<hbm>>) target(%arg8 : memref<128x64xf32, #tpu.memory_space<vmem>>) offsets(%dma_start3A_237 : memref<128xi32, #tpu.memory_space<vmem>>) semaphore(%arg18 : memref<!tpu.dma_semaphore, #tpu.memory_space<semaphore_mem>>)
      } else {
      }
      %mul3A_156 = arith.constant 128 : i32
      %mul3A_157 = arith.muli %add3A_131, %mul3A_156 : i32
      %add3A_158 = arith.addi %mul3A_2, %mul3A_157 : i32
      %dma_start3A_159 = arith.constant 0 : i32
      %dma_start3A_160 = tpu.memref_slice %arg4[%add3A_158, %dma_start3A_159] : memref<819200x64xf32, #tpu.memory_space<hbm>> -> memref<128x64xf32, #tpu.memory_space<hbm>>
      %dma_start3A_161 = arith.constant 0 : i32
      %dma_start3A_162 = tpu.memref_slice %arg4[%add3A_158, %dma_start3A_161] : memref<819200x64xf32, #tpu.memory_space<hbm>> -> memref<128x64xf32, #tpu.memory_space<hbm>>
      tpu.enqueue_dma source(%arg13 : memref<128x64xf32, #tpu.memory_space<vmem>>) target(%dma_start3A_162 : memref<128x64xf32, #tpu.memory_space<hbm>>) target_semaphore(%arg23 : memref<!tpu.dma_semaphore, #tpu.memory_space<semaphore_mem>>)
      %mul3A_163 = arith.constant 5 : i32
      %mul3A_164 = arith.muli %scan3A_61, %mul3A_163 : i32
      %add3A_165 = arith.constant 3 : i32
      %add3A_166 = arith.addi %mul3A_164, %add3A_165 : i32
      %mul3A_167 = arith.constant 128 : i32
      %mul3A_168 = arith.muli %add3A_166, %mul3A_167 : i32
      %dma_wait3A_169 = tpu.memref_slice %arg5[%mul3A_168] : memref<25600xi32, #tpu.memory_space<vmem>> -> memref<128xi32, #tpu.memory_space<vmem>>
      %dma_wait3A_170 = arith.constant 0 : i32
      %dma_wait3A_171 = arith.constant 0 : i32
      %dma_wait3A_172 = tpu.memref_slice %arg3[%dma_wait3A_170, %dma_wait3A_171] : memref<1000000x64xf32, #tpu.memory_space<hbm>> -> memref<1000000x64xf32, #tpu.memory_space<hbm>>
      tpu.wait_indirect_dma semaphore(%arg19 : memref<!tpu.dma_semaphore, #tpu.memory_space<semaphore_mem>>) src(%dma_wait3A_172 : memref<1000000x64xf32, #tpu.memory_space<hbm>>) dst(%arg9 : memref<128x64xf32, #tpu.memory_space<vmem>>)
      %gt3A_173 = arith.constant 0 : i32
      %gt3A_174 = arith.cmpi sgt, %scan3A_61, %gt3A_173 : i32
      %convert_element_type3A_175 = arith.extui %gt3A_174 : i1 to i32
      %cond3A_176 = arith.constant 0 : i32
      %cond3A_177 = arith.cmpi ne, %convert_element_type3A_175, %cond3A_176 : i32
      scf.if %cond3A_177 {
        %sub3A = arith.constant 5 : i32
        %sub3A_233 = arith.subi %add3A_166, %sub3A : i32
        %mul3A_234 = arith.constant 128 : i32
        %mul3A_235 = arith.muli %sub3A_233, %mul3A_234 : i32
        %add3A_236 = arith.addi %mul3A_2, %mul3A_235 : i32
        %dma_wait3A_237 = arith.constant 0 : i32
        %dma_wait3A_238 = tpu.memref_slice %arg4[%add3A_236, %dma_wait3A_237] : memref<819200x64xf32, #tpu.memory_space<hbm>> -> memref<128x64xf32, #tpu.memory_space<hbm>>
        %dma_wait3A_239 = arith.constant 0 : i32
        %dma_wait3A_240 = tpu.memref_slice %arg4[%add3A_236, %dma_wait3A_239] : memref<819200x64xf32, #tpu.memory_space<hbm>> -> memref<128x64xf32, #tpu.memory_space<hbm>>
        tpu.wait_dma2 semaphore(%arg24 : memref<!tpu.dma_semaphore, #tpu.memory_space<semaphore_mem>>) src(%arg14 : memref<128x64xf32, #tpu.memory_space<vmem>>) dst(%dma_wait3A_240 : memref<128x64xf32, #tpu.memory_space<hbm>>)
      } else {
      }
      %scan3A_178 = arith.constant 0 : i32
      %scan3A_179 = arith.constant 0 : i32
      %scan3A_180 = arith.constant 128 : i32
      %scan3A_181 = arith.addi %scan3A_179, %scan3A_180 : i32
      %scan3A_182 = arith.constant 1 : i32
      scf.for %scan3A_233 = %scan3A_179 to %scan3A_181 step %scan3A_182  : i32 {
        %get3A = arith.index_cast %scan3A_233 : i32 to index
        %get3A_234 = arith.constant 0 : index
        %get3A_235 = tpu.vector_load %arg9[%get3A, %get3A_234] {strides = array<i32>} : memref<128x64xf32, #tpu.memory_space<vmem>>, vector<1x16xf32>,
        %get3A_236 = vector.shape_cast %get3A_235 : vector<1x16xf32> to vector<16xf32>
        %mul3A_237 = arith.constant 1.250000e-01 : f32
        %mul3A_238 = vector.broadcast %mul3A_237 : f32 to vector<16xf32>
        %mul3A_239 = arith.mulf %get3A_236, %mul3A_238 : vector<16xf32>
        %swap3A = arith.index_cast %scan3A_233 : i32 to index
        %swap3A_240 = arith.constant 0 : index
        %swap3A_241 = tpu.vector_load %arg14[%swap3A, %swap3A_240] {strides = array<i32>} : memref<128x64xf32, #tpu.memory_space<vmem>>, vector<1x16xf32>,
        %swap3A_242 = vector.shape_cast %swap3A_241 : vector<1x16xf32> to vector<16xf32>
        %swap3A_243 = vector.shape_cast %mul3A_239 : vector<16xf32> to vector<1x16xf32>
        tpu.vector_store %arg14[%swap3A, %swap3A_240], %swap3A_243 {strides = array<i32>} : memref<128x64xf32, #tpu.memory_space<vmem>>, vector<1x16xf32>,
        %get3A_244 = arith.index_cast %scan3A_233 : i32 to index
        %get3A_245 = arith.constant 16 : index
        %get3A_246 = tpu.vector_load %arg9[%get3A_244, %get3A_245] {strides = array<i32>} : memref<128x64xf32, #tpu.memory_space<vmem>>, vector<1x16xf32>,
        %get3A_247 = vector.shape_cast %get3A_246 : vector<1x16xf32> to vector<16xf32>
        %mul3A_248 = arith.constant 1.250000e-01 : f32
        %mul3A_249 = vector.broadcast %mul3A_248 : f32 to vector<16xf32>
        %mul3A_250 = arith.mulf %get3A_247, %mul3A_249 : vector<16xf32>
        %swap3A_251 = arith.index_cast %scan3A_233 : i32 to index
        %swap3A_252 = arith.constant 16 : index
        %swap3A_253 = tpu.vector_load %arg14[%swap3A_251, %swap3A_252] {strides = array<i32>} : memref<128x64xf32, #tpu.memory_space<vmem>>, vector<1x16xf32>,
        %swap3A_254 = vector.shape_cast %swap3A_253 : vector<1x16xf32> to vector<16xf32>
        %swap3A_255 = vector.shape_cast %mul3A_250 : vector<16xf32> to vector<1x16xf32>
        tpu.vector_store %arg14[%swap3A_251, %swap3A_252], %swap3A_255 {strides = array<i32>} : memref<128x64xf32, #tpu.memory_space<vmem>>, vector<1x16xf32>,
        %get3A_256 = arith.index_cast %scan3A_233 : i32 to index
        %get3A_257 = arith.constant 32 : index
        %get3A_258 = tpu.vector_load %arg9[%get3A_256, %get3A_257] {strides = array<i32>} : memref<128x64xf32, #tpu.memory_space<vmem>>, vector<1x16xf32>,
        %get3A_259 = vector.shape_cast %get3A_258 : vector<1x16xf32> to vector<16xf32>
        %mul3A_260 = arith.constant 1.250000e-01 : f32
        %mul3A_261 = vector.broadcast %mul3A_260 : f32 to vector<16xf32>
        %mul3A_262 = arith.mulf %get3A_259, %mul3A_261 : vector<16xf32>
        %swap3A_263 = arith.index_cast %scan3A_233 : i32 to index
        %swap3A_264 = arith.constant 32 : index
        %swap3A_265 = tpu.vector_load %arg14[%swap3A_263, %swap3A_264] {strides = array<i32>} : memref<128x64xf32, #tpu.memory_space<vmem>>, vector<1x16xf32>,
        %swap3A_266 = vector.shape_cast %swap3A_265 : vector<1x16xf32> to vector<16xf32>
        %swap3A_267 = vector.shape_cast %mul3A_262 : vector<16xf32> to vector<1x16xf32>
        tpu.vector_store %arg14[%swap3A_263, %swap3A_264], %swap3A_267 {strides = array<i32>} : memref<128x64xf32, #tpu.memory_space<vmem>>, vector<1x16xf32>,
        %get3A_268 = arith.index_cast %scan3A_233 : i32 to index
        %get3A_269 = arith.constant 48 : index
        %get3A_270 = tpu.vector_load %arg9[%get3A_268, %get3A_269] {strides = array<i32>} : memref<128x64xf32, #tpu.memory_space<vmem>>, vector<1x16xf32>,
        %get3A_271 = vector.shape_cast %get3A_270 : vector<1x16xf32> to vector<16xf32>
        %mul3A_272 = arith.constant 1.250000e-01 : f32
        %mul3A_273 = vector.broadcast %mul3A_272 : f32 to vector<16xf32>
        %mul3A_274 = arith.mulf %get3A_271, %mul3A_273 : vector<16xf32>
        %swap3A_275 = arith.index_cast %scan3A_233 : i32 to index
        %swap3A_276 = arith.constant 48 : index
        %swap3A_277 = tpu.vector_load %arg14[%swap3A_275, %swap3A_276] {strides = array<i32>} : memref<128x64xf32, #tpu.memory_space<vmem>>, vector<1x16xf32>,
        %swap3A_278 = vector.shape_cast %swap3A_277 : vector<1x16xf32> to vector<16xf32>
        %swap3A_279 = vector.shape_cast %mul3A_274 : vector<16xf32> to vector<1x16xf32>
        tpu.vector_store %arg14[%swap3A_275, %swap3A_276], %swap3A_279 {strides = array<i32>} : memref<128x64xf32, #tpu.memory_space<vmem>>, vector<1x16xf32>,
      }
      %scan3A_183 = arith.constant 128 : i32
      %add3A_184 = arith.constant 5 : i32
      %add3A_185 = arith.addi %add3A_166, %add3A_184 : i32
      %lt3A_186 = arith.constant 200 : i32
      %lt3A_187 = arith.cmpi slt, %add3A_185, %lt3A_186 : i32
      %convert_element_type3A_188 = arith.extui %lt3A_187 : i1 to i32
      %cond3A_189 = arith.constant 0 : i32
      %cond3A_190 = arith.cmpi ne, %convert_element_type3A_188, %cond3A_189 : i32
      scf.if %cond3A_190 {
        %add3A_233 = arith.constant 5 : i32
        %add3A_234 = arith.addi %add3A_166, %add3A_233 : i32
        %mul3A_235 = arith.constant 128 : i32
        %mul3A_236 = arith.muli %add3A_234, %mul3A_235 : i32
        %dma_start3A_237 = tpu.memref_slice %arg5[%mul3A_236] : memref<25600xi32, #tpu.memory_space<vmem>> -> memref<128xi32, #tpu.memory_space<vmem>>
        %dma_start3A_238 = arith.constant 0 : i32
        %dma_start3A_239 = arith.constant 0 : i32
        %dma_start3A_240 = tpu.memref_slice %arg3[%dma_start3A_238, %dma_start3A_239] : memref<1000000x64xf32, #tpu.memory_space<hbm>> -> memref<1000000x64xf32, #tpu.memory_space<hbm>>
        tpu.enqueue_indirect_dma source(%dma_start3A_240 : memref<1000000x64xf32, #tpu.memory_space<hbm>>) target(%arg9 : memref<128x64xf32, #tpu.memory_space<vmem>>) offsets(%dma_start3A_237 : memref<128xi32, #tpu.memory_space<vmem>>) semaphore(%arg19 : memref<!tpu.dma_semaphore, #tpu.memory_space<semaphore_mem>>)
      } else {
      }
      %mul3A_191 = arith.constant 128 : i32
      %mul3A_192 = arith.muli %add3A_166, %mul3A_191 : i32
      %add3A_193 = arith.addi %mul3A_2, %mul3A_192 : i32
      %dma_start3A_194 = arith.constant 0 : i32
      %dma_start3A_195 = tpu.memref_slice %arg4[%add3A_193, %dma_start3A_194] : memref<819200x64xf32, #tpu.memory_space<hbm>> -> memref<128x64xf32, #tpu.memory_space<hbm>>
      %dma_start3A_196 = arith.constant 0 : i32
      %dma_start3A_197 = tpu.memref_slice %arg4[%add3A_193, %dma_start3A_196] : memref<819200x64xf32, #tpu.memory_space<hbm>> -> memref<128x64xf32, #tpu.memory_space<hbm>>
      tpu.enqueue_dma source(%arg14 : memref<128x64xf32, #tpu.memory_space<vmem>>) target(%dma_start3A_197 : memref<128x64xf32, #tpu.memory_space<hbm>>) target_semaphore(%arg24 : memref<!tpu.dma_semaphore, #tpu.memory_space<semaphore_mem>>)
      %mul3A_198 = arith.constant 5 : i32
      %mul3A_199 = arith.muli %scan3A_61, %mul3A_198 : i32
      %add3A_200 = arith.constant 4 : i32
      %add3A_201 = arith.addi %mul3A_199, %add3A_200 : i32
      %mul3A_202 = arith.constant 128 : i32
      %mul3A_203 = arith.muli %add3A_201, %mul3A_202 : i32
      %dma_wait3A_204 = tpu.memref_slice %arg5[%mul3A_203] : memref<25600xi32, #tpu.memory_space<vmem>> -> memref<128xi32, #tpu.memory_space<vmem>>
      %dma_wait3A_205 = arith.constant 0 : i32
      %dma_wait3A_206 = arith.constant 0 : i32
      %dma_wait3A_207 = tpu.memref_slice %arg3[%dma_wait3A_205, %dma_wait3A_206] : memref<1000000x64xf32, #tpu.memory_space<hbm>> -> memref<1000000x64xf32, #tpu.memory_space<hbm>>
      tpu.wait_indirect_dma semaphore(%arg20 : memref<!tpu.dma_semaphore, #tpu.memory_space<semaphore_mem>>) src(%dma_wait3A_207 : memref<1000000x64xf32, #tpu.memory_space<hbm>>) dst(%arg10 : memref<128x64xf32, #tpu.memory_space<vmem>>)
      %gt3A_208 = arith.constant 0 : i32
      %gt3A_209 = arith.cmpi sgt, %scan3A_61, %gt3A_208 : i32
      %convert_element_type3A_210 = arith.extui %gt3A_209 : i1 to i32
      %cond3A_211 = arith.constant 0 : i32
      %cond3A_212 = arith.cmpi ne, %convert_element_type3A_210, %cond3A_211 : i32
      scf.if %cond3A_212 {
        %sub3A = arith.constant 5 : i32
        %sub3A_233 = arith.subi %add3A_201, %sub3A : i32
        %mul3A_234 = arith.constant 128 : i32
        %mul3A_235 = arith.muli %sub3A_233, %mul3A_234 : i32
        %add3A_236 = arith.addi %mul3A_2, %mul3A_235 : i32
        %dma_wait3A_237 = arith.constant 0 : i32
        %dma_wait3A_238 = tpu.memref_slice %arg4[%add3A_236, %dma_wait3A_237] : memref<819200x64xf32, #tpu.memory_space<hbm>> -> memref<128x64xf32, #tpu.memory_space<hbm>>
        %dma_wait3A_239 = arith.constant 0 : i32
        %dma_wait3A_240 = tpu.memref_slice %arg4[%add3A_236, %dma_wait3A_239] : memref<819200x64xf32, #tpu.memory_space<hbm>> -> memref<128x64xf32, #tpu.memory_space<hbm>>
        tpu.wait_dma2 semaphore(%arg25 : memref<!tpu.dma_semaphore, #tpu.memory_space<semaphore_mem>>) src(%arg15 : memref<128x64xf32, #tpu.memory_space<vmem>>) dst(%dma_wait3A_240 : memref<128x64xf32, #tpu.memory_space<hbm>>)
      } else {
      }
      %scan3A_213 = arith.constant 0 : i32
      %scan3A_214 = arith.constant 0 : i32
      %scan3A_215 = arith.constant 128 : i32
      %scan3A_216 = arith.addi %scan3A_214, %scan3A_215 : i32
      %scan3A_217 = arith.constant 1 : i32
      scf.for %scan3A_233 = %scan3A_214 to %scan3A_216 step %scan3A_217  : i32 {
        %get3A = arith.index_cast %scan3A_233 : i32 to index
        %get3A_234 = arith.constant 0 : index
        %get3A_235 = tpu.vector_load %arg10[%get3A, %get3A_234] {strides = array<i32>} : memref<128x64xf32, #tpu.memory_space<vmem>>, vector<1x16xf32>,
        %get3A_236 = vector.shape_cast %get3A_235 : vector<1x16xf32> to vector<16xf32>
        %mul3A_237 = arith.constant 1.250000e-01 : f32
        %mul3A_238 = vector.broadcast %mul3A_237 : f32 to vector<16xf32>
        %mul3A_239 = arith.mulf %get3A_236, %mul3A_238 : vector<16xf32>
        %swap3A = arith.index_cast %scan3A_233 : i32 to index
        %swap3A_240 = arith.constant 0 : index
        %swap3A_241 = tpu.vector_load %arg15[%swap3A, %swap3A_240] {strides = array<i32>} : memref<128x64xf32, #tpu.memory_space<vmem>>, vector<1x16xf32>,
        %swap3A_242 = vector.shape_cast %swap3A_241 : vector<1x16xf32> to vector<16xf32>
        %swap3A_243 = vector.shape_cast %mul3A_239 : vector<16xf32> to vector<1x16xf32>
        tpu.vector_store %arg15[%swap3A, %swap3A_240], %swap3A_243 {strides = array<i32>} : memref<128x64xf32, #tpu.memory_space<vmem>>, vector<1x16xf32>,
        %get3A_244 = arith.index_cast %scan3A_233 : i32 to index
        %get3A_245 = arith.constant 16 : index
        %get3A_246 = tpu.vector_load %arg10[%get3A_244, %get3A_245] {strides = array<i32>} : memref<128x64xf32, #tpu.memory_space<vmem>>, vector<1x16xf32>,
        %get3A_247 = vector.shape_cast %get3A_246 : vector<1x16xf32> to vector<16xf32>
        %mul3A_248 = arith.constant 1.250000e-01 : f32
        %mul3A_249 = vector.broadcast %mul3A_248 : f32 to vector<16xf32>
        %mul3A_250 = arith.mulf %get3A_247, %mul3A_249 : vector<16xf32>
        %swap3A_251 = arith.index_cast %scan3A_233 : i32 to index
        %swap3A_252 = arith.constant 16 : index
        %swap3A_253 = tpu.vector_load %arg15[%swap3A_251, %swap3A_252] {strides = array<i32>} : memref<128x64xf32, #tpu.memory_space<vmem>>, vector<1x16xf32>,
        %swap3A_254 = vector.shape_cast %swap3A_253 : vector<1x16xf32> to vector<16xf32>
        %swap3A_255 = vector.shape_cast %mul3A_250 : vector<16xf32> to vector<1x16xf32>
        tpu.vector_store %arg15[%swap3A_251, %swap3A_252], %swap3A_255 {strides = array<i32>} : memref<128x64xf32, #tpu.memory_space<vmem>>, vector<1x16xf32>,
        %get3A_256 = arith.index_cast %scan3A_233 : i32 to index
        %get3A_257 = arith.constant 32 : index
        %get3A_258 = tpu.vector_load %arg10[%get3A_256, %get3A_257] {strides = array<i32>} : memref<128x64xf32, #tpu.memory_space<vmem>>, vector<1x16xf32>,
        %get3A_259 = vector.shape_cast %get3A_258 : vector<1x16xf32> to vector<16xf32>
        %mul3A_260 = arith.constant 1.250000e-01 : f32
        %mul3A_261 = vector.broadcast %mul3A_260 : f32 to vector<16xf32>
        %mul3A_262 = arith.mulf %get3A_259, %mul3A_261 : vector<16xf32>
        %swap3A_263 = arith.index_cast %scan3A_233 : i32 to index
        %swap3A_264 = arith.constant 32 : index
        %swap3A_265 = tpu.vector_load %arg15[%swap3A_263, %swap3A_264] {strides = array<i32>} : memref<128x64xf32, #tpu.memory_space<vmem>>, vector<1x16xf32>,
        %swap3A_266 = vector.shape_cast %swap3A_265 : vector<1x16xf32> to vector<16xf32>
        %swap3A_267 = vector.shape_cast %mul3A_262 : vector<16xf32> to vector<1x16xf32>
        tpu.vector_store %arg15[%swap3A_263, %swap3A_264], %swap3A_267 {strides = array<i32>} : memref<128x64xf32, #tpu.memory_space<vmem>>, vector<1x16xf32>,
        %get3A_268 = arith.index_cast %scan3A_233 : i32 to index
        %get3A_269 = arith.constant 48 : index
        %get3A_270 = tpu.vector_load %arg10[%get3A_268, %get3A_269] {strides = array<i32>} : memref<128x64xf32, #tpu.memory_space<vmem>>, vector<1x16xf32>,
        %get3A_271 = vector.shape_cast %get3A_270 : vector<1x16xf32> to vector<16xf32>
        %mul3A_272 = arith.constant 1.250000e-01 : f32
        %mul3A_273 = vector.broadcast %mul3A_272 : f32 to vector<16xf32>
        %mul3A_274 = arith.mulf %get3A_271, %mul3A_273 : vector<16xf32>
        %swap3A_275 = arith.index_cast %scan3A_233 : i32 to index
        %swap3A_276 = arith.constant 48 : index
        %swap3A_277 = tpu.vector_load %arg15[%swap3A_275, %swap3A_276] {strides = array<i32>} : memref<128x64xf32, #tpu.memory_space<vmem>>, vector<1x16xf32>,
        %swap3A_278 = vector.shape_cast %swap3A_277 : vector<1x16xf32> to vector<16xf32>
        %swap3A_279 = vector.shape_cast %mul3A_274 : vector<16xf32> to vector<1x16xf32>
        tpu.vector_store %arg15[%swap3A_275, %swap3A_276], %swap3A_279 {strides = array<i32>} : memref<128x64xf32, #tpu.memory_space<vmem>>, vector<1x16xf32>,
      }
      %scan3A_218 = arith.constant 128 : i32
      %add3A_219 = arith.constant 5 : i32
      %add3A_220 = arith.addi %add3A_201, %add3A_219 : i32
      %lt3A_221 = arith.constant 200 : i32
      %lt3A_222 = arith.cmpi slt, %add3A_220, %lt3A_221 : i32
      %convert_element_type3A_223 = arith.extui %lt3A_222 : i1 to i32
      %cond3A_224 = arith.constant 0 : i32
      %cond3A_225 = arith.cmpi ne, %convert_element_type3A_223, %cond3A_224 : i32
      scf.if %cond3A_225 {
        %add3A_233 = arith.constant 5 : i32
        %add3A_234 = arith.addi %add3A_201, %add3A_233 : i32
        %mul3A_235 = arith.constant 128 : i32
        %mul3A_236 = arith.muli %add3A_234, %mul3A_235 : i32
        %dma_start3A_237 = tpu.memref_slice %arg5[%mul3A_236] : memref<25600xi32, #tpu.memory_space<vmem>> -> memref<128xi32, #tpu.memory_space<vmem>>
        %dma_start3A_238 = arith.constant 0 : i32
        %dma_start3A_239 = arith.constant 0 : i32
        %dma_start3A_240 = tpu.memref_slice %arg3[%dma_start3A_238, %dma_start3A_239] : memref<1000000x64xf32, #tpu.memory_space<hbm>> -> memref<1000000x64xf32, #tpu.memory_space<hbm>>
        tpu.enqueue_indirect_dma source(%dma_start3A_240 : memref<1000000x64xf32, #tpu.memory_space<hbm>>) target(%arg10 : memref<128x64xf32, #tpu.memory_space<vmem>>) offsets(%dma_start3A_237 : memref<128xi32, #tpu.memory_space<vmem>>) semaphore(%arg20 : memref<!tpu.dma_semaphore, #tpu.memory_space<semaphore_mem>>)
      } else {
      }
      %mul3A_226 = arith.constant 128 : i32
      %mul3A_227 = arith.muli %add3A_201, %mul3A_226 : i32
      %add3A_228 = arith.addi %mul3A_2, %mul3A_227 : i32
      %dma_start3A_229 = arith.constant 0 : i32
      %dma_start3A_230 = tpu.memref_slice %arg4[%add3A_228, %dma_start3A_229] : memref<819200x64xf32, #tpu.memory_space<hbm>> -> memref<128x64xf32, #tpu.memory_space<hbm>>
      %dma_start3A_231 = arith.constant 0 : i32
      %dma_start3A_232 = tpu.memref_slice %arg4[%add3A_228, %dma_start3A_231] : memref<819200x64xf32, #tpu.memory_space<hbm>> -> memref<128x64xf32, #tpu.memory_space<hbm>>
      tpu.enqueue_dma source(%arg15 : memref<128x64xf32, #tpu.memory_space<vmem>>) target(%dma_start3A_232 : memref<128x64xf32, #tpu.memory_space<hbm>>) target_semaphore(%arg25 : memref<!tpu.dma_semaphore, #tpu.memory_space<semaphore_mem>>)
    }
    %scan3A_31 = arith.constant 40 : i32
    %add3A_32 = arith.constant 24960 : i32
    %add3A_33 = arith.addi %mul3A_2, %add3A_32 : i32
    %dma_wait3A = arith.constant 0 : i32
    %dma_wait3A_34 = tpu.memref_slice %arg4[%add3A_33, %dma_wait3A] : memref<819200x64xf32, #tpu.memory_space<hbm>> -> memref<128x64xf32, #tpu.memory_space<hbm>>
    %dma_wait3A_35 = arith.constant 0 : i32
    %dma_wait3A_36 = tpu.memref_slice %arg4[%add3A_33, %dma_wait3A_35] : memref<819200x64xf32, #tpu.memory_space<hbm>> -> memref<128x64xf32, #tpu.memory_space<hbm>>
    tpu.wait_dma2 semaphore(%arg21 : memref<!tpu.dma_semaphore, #tpu.memory_space<semaphore_mem>>) src(%arg11 : memref<128x64xf32, #tpu.memory_space<vmem>>) dst(%dma_wait3A_36 : memref<128x64xf32, #tpu.memory_space<hbm>>)
    %add3A_37 = arith.constant 25088 : i32
    %add3A_38 = arith.addi %mul3A_2, %add3A_37 : i32
    %dma_wait3A_39 = arith.constant 0 : i32
    %dma_wait3A_40 = tpu.memref_slice %arg4[%add3A_38, %dma_wait3A_39] : memref<819200x64xf32, #tpu.memory_space<hbm>> -> memref<128x64xf32, #tpu.memory_space<hbm>>
    %dma_wait3A_41 = arith.constant 0 : i32
    %dma_wait3A_42 = tpu.memref_slice %arg4[%add3A_38, %dma_wait3A_41] : memref<819200x64xf32, #tpu.memory_space<hbm>> -> memref<128x64xf32, #tpu.memory_space<hbm>>
    tpu.wait_dma2 semaphore(%arg22 : memref<!tpu.dma_semaphore, #tpu.memory_space<semaphore_mem>>) src(%arg12 : memref<128x64xf32, #tpu.memory_space<vmem>>) dst(%dma_wait3A_42 : memref<128x64xf32, #tpu.memory_space<hbm>>)
    %add3A_43 = arith.constant 25216 : i32
    %add3A_44 = arith.addi %mul3A_2, %add3A_43 : i32
    %dma_wait3A_45 = arith.constant 0 : i32
    %dma_wait3A_46 = tpu.memref_slice %arg4[%add3A_44, %dma_wait3A_45] : memref<819200x64xf32, #tpu.memory_space<hbm>> -> memref<128x64xf32, #tpu.memory_space<hbm>>
    %dma_wait3A_47 = arith.constant 0 : i32
    %dma_wait3A_48 = tpu.memref_slice %arg4[%add3A_44, %dma_wait3A_47] : memref<819200x64xf32, #tpu.memory_space<hbm>> -> memref<128x64xf32, #tpu.memory_space<hbm>>
    tpu.wait_dma2 semaphore(%arg23 : memref<!tpu.dma_semaphore, #tpu.memory_space<semaphore_mem>>) src(%arg13 : memref<128x64xf32, #tpu.memory_space<vmem>>) dst(%dma_wait3A_48 : memref<128x64xf32, #tpu.memory_space<hbm>>)
    %add3A_49 = arith.constant 25344 : i32
    %add3A_50 = arith.addi %mul3A_2, %add3A_49 : i32
    %dma_wait3A_51 = arith.constant 0 : i32
    %dma_wait3A_52 = tpu.memref_slice %arg4[%add3A_50, %dma_wait3A_51] : memref<819200x64xf32, #tpu.memory_space<hbm>> -> memref<128x64xf32, #tpu.memory_space<hbm>>
    %dma_wait3A_53 = arith.constant 0 : i32
    %dma_wait3A_54 = tpu.memref_slice %arg4[%add3A_50, %dma_wait3A_53] : memref<819200x64xf32, #tpu.memory_space<hbm>> -> memref<128x64xf32, #tpu.memory_space<hbm>>
    tpu.wait_dma2 semaphore(%arg24 : memref<!tpu.dma_semaphore, #tpu.memory_space<semaphore_mem>>) src(%arg14 : memref<128x64xf32, #tpu.memory_space<vmem>>) dst(%dma_wait3A_54 : memref<128x64xf32, #tpu.memory_space<hbm>>)
    %add3A_55 = arith.constant 25472 : i32
    %add3A_56 = arith.addi %mul3A_2, %add3A_55 : i32
    %dma_wait3A_57 = arith.constant 0 : i32
    %dma_wait3A_58 = tpu.memref_slice %arg4[%add3A_56, %dma_wait3A_57] : memref<819200x64xf32, #tpu.memory_space<hbm>> -> memref<128x64xf32, #tpu.memory_space<hbm>>
    %dma_wait3A_59 = arith.constant 0 : i32
    %dma_wait3A_60 = tpu.memref_slice %arg4[%add3A_56, %dma_wait3A_59] : memref<819200x64xf32, #tpu.memory_space<hbm>> -> memref<128x64xf32, #tpu.memory_space<hbm>>
    tpu.wait_dma2 semaphore(%arg25 : memref<!tpu.dma_semaphore, #tpu.memory_space<semaphore_mem>>) src(%arg15 : memref<128x64xf32, #tpu.memory_space<vmem>>) dst(%dma_wait3A_60 : memref<128x64xf32, #tpu.memory_space<hbm>>)
    return
  }
}

</mosaic_0001>

<sc_bundles>
// kernel: kernel.3.cloned.1.call-start
scs
__scs_entry_jumppad:
0x0: {  	(pc) =	sbr.rel $0x88, $3  }
0x1: {  	(tag) =	ssettag $0x0;
	lr =	simm.s32 $0x1  }
0x2: {  	[smem:$0x3F9F] =	sst lr;
	_ =	strace $0xD0000000  }
0x3: {  	_ = 	snop  }
0x4: {  	_ = 	snop  }
0x5: {  	_ = 	snop  }
0x6: {  	_ = 	snop  }
0x7: {  	_ = 	snop  }
__scs_overlays_trampoline_lowered:
0x8: {  	[smem:$0x3FAE] =	sst s0  }
0x9: {  	[smem:$0x3FAF] =	sst s1  }
0xa: {  	[smem:$0x3FB0] =	sst s2  }
0xb: {  	[smem:$0x3FB1] =	sst s3  }
0xc: {  	[smem:$0x3FB2] =	sst s4  }
0xd: {  	[smem:$0x3FB3] =	sst s5  }
0xe: {  	[smem:$0x3FB4] =	sst s6  }
0xf: {  	[smem:$0x3FB5] =	sst s7  }
0x10: {  	[smem:$0x3FB6] =	sst s8  }
0x11: {  	[smem:$0x3FB7] =	sst s9;
	s0 =	simm.s32 @!p0 $0x0  }
0x12: {  	s1 =	sld [smem:$0x3F9D];
	s0 =	simm.s32 @p0 $0x1  }
0x13: {  	[smem:$0x3FB8] =	sst s0;
	s0 =	simm.s32 @!p1 $0x0  }
0x14: {  	s2 =	sld [smem:$0x3F9C];
	s0 =	simm.s32 @p1 $0x1  }
0x15: {  	[smem:$0x3FB9] =	sst s0;
	s0 =	simm.s32 @!p2 $0x0  }
0x16: {  	s3 =	sld [smem:$0x3FDB];
	s0 =	simm.s32 @p2 $0x1  }
0x17: {  	s4 =	simm.s32 $0x1BF5;
	[smem:$0x3FBB] =	sst s0  }
0x18: {  	s0 =	sld [smem:$0x3F9E];
	_ =	swait.ge [sflag:s4], $0x0  }
0x19: {  	s7 =	sld [smem:$0x3F9F]  }
0x1a: {  	s8 =	sadd.s32 $0xFFFFE003, lr  }
0x1b: {  	s9 =	sadd.s32 $0xFFFFFEF7, lr;
	s5 =	simm.s32 $0xFFFFFFFF;
	p2 =	slt.u32 s8, $0xFFFFF086  }
0x1c: {  	p1 =	slt.u32 s9, $0xF7A;
	s5 =	simm.s32 @!p2 $0x0  }
0x1d: {  	s5 =	simm.s32 @p1 $0x1;
	p0 =	seq.s32 s7, s2  }
0x1e: {  	s7 =	smul.u32 @!p0 $0xF7A, s2;
	p2 =	seq.s32 @!p0 s5, $0x0  }
0x1f: {  	s9 =	smul.u32 $0xF7A, s1;
	s8 =	simm.s32 @!p0 $0x1BF5;
	p2 =	por !p2, p0  }
0x20: {  	[sflag:s8] =	ssyncset.s32 @!p0 $0xFFFFF086;
	s6 =	sadd.s32 @!p0 s3, s7;
	s7 =	simm.s32 @!p0 $0x108  }
0x21: {  	s3 =	sadd.s32 s3, s9;
	s6 =	sadd.s32 @!p0 $0x88, s6;
	s7 =	simm.s32 @p2 $0x1082  }
0x22: {  	[simem:s7], [sflag:s8] =	dma.local @!p0 [hbm:s6], $0xF7A  }
0x23: {  	s9 =	sor.u32 $0xD0000000, s2;
	s6 =	simm.s32 $0x108;
	_ =	swait.ge @!p0 [sflag:s8], $0x0  }
0x24: {  	s3 =	sadd.s32 $0x88, s3;
	s6 =	simm.s32 @!p1 $0x1082;
	[sflag:s4] =	ssyncset.s32 $0xFFFFF086  }
0x25: {  	[simem:s6], [sflag:s4] =	dma.local [hbm:s3], $0xF7A  }
0x26: {  	[smem:$0x3F9F] =	sst s1;
	(tag) =	ssettag s2;
	_ =	strace s9  }
0x27: {  	s1 =	sld [smem:$0x3FAF]  }
0x28: {  	s2 =	sld [smem:$0x3FB0]  }
0x29: {  	s4 =	sld [smem:$0x3FB2]  }
0x2a: {  	p0 =	seq.s32 s5, $0x0;
	s5 =	sld [smem:$0x3FB3]  }
0x2b: {  	s6 =	sld [smem:$0x3FB4]  }
0x2c: {  	s7 =	sld [smem:$0x3FB5]  }
0x2d: {  	s3 =	simm.s32 $0x108;
	s8 =	sld [smem:$0x3FB6]  }
0x2e: {  	s3 =	simm.s32 @!p0 $0x1082;
	s9 =	sld [smem:$0x3FB7]  }
0x2f: {  	lr =	sadd.s32 s0, s3;
	s0 =	sld [smem:$0x3FAE]  }
0x30: {  	s3 =	sld [smem:$0x3FB1]  }
0x31: {  	[smem:$0x3FBA] =	sst s10  }
0x32: {  	s10 =	sld [smem:$0x3FB8];
	_ =	sdelay $0x3  }
0x33: {  	p0 =	seq.s32 s10, $0x1;
	s10 =	sld [smem:$0x3FBA];
	_ =	sdelay $0x3  }
0x34: {  	[smem:$0x3FBA] =	sst s10  }
0x35: {  	s10 =	sld [smem:$0x3FB9];
	_ =	sdelay $0x3  }
0x36: {  	p1 =	seq.s32 s10, $0x1;
	s10 =	sld [smem:$0x3FBA];
	_ =	sdelay $0x3  }
0x37: {  	[smem:$0x3FBA] =	sst s10  }
0x38: {  	s10 =	sld [smem:$0x3FBB]  }
0x39: {  	_ = 	snop;
	(pc) =	sbr.ind lr, $3  }
0x3a: {  	_ = 	snop  }
0x3b: {  	_ = 	snop  }
0x3c: {  	p2 =	seq.s32 s10, $0x1;
	s10 =	sld [smem:$0x3FBA]  }
0x3d: {  	_ =	shalt  }
0x3e: {  	_ =	shalt  }
0x3f: {  	_ =	shalt  }
0x40: {  	_ =	shalt  }
0x41: {  	_ =	shalt  }
0x42: {  	_ =	shalt  }
0x43: {  	_ =	shalt  }
0x44: {  	_ =	shalt  }
0x45: {  	_ =	shalt  }
0x46: {  	_ =	shalt  }
0x47: {  	_ =	shalt  }
0x48: {  	_ =	shalt  }
0x49: {  	_ =	shalt  }
0x4a: {  	_ =	shalt  }
0x4b: {  	_ =	shalt  }
0x4c: {  	_ =	shalt  }
0x4d: {  	_ =	shalt  }
0x4e: {  	_ =	shalt  }
0x4f: {  	_ =	shalt  }
0x50: {  	_ =	shalt  }
0x51: {  	_ =	shalt  }
0x52: {  	_ =	shalt  }
0x53: {  	_ =	shalt  }
0x54: {  	_ =	shalt  }
0x55: {  	_ =	shalt  }
0x56: {  	_ =	shalt  }
0x57: {  	_ =	shalt  }
0x58: {  	_ =	shalt  }
0x59: {  	_ =	shalt  }
0x5a: {  	_ =	shalt  }
0x5b: {  	_ =	shalt  }
0x5c: {  	_ =	shalt  }
0x5d: {  	_ =	shalt  }
0x5e: {  	_ =	shalt  }
0x5f: {  	_ =	shalt  }
0x60: {  	_ =	shalt  }
0x61: {  	_ =	shalt  }
0x62: {  	_ =	shalt  }
0x63: {  	_ =	shalt  }
0x64: {  	_ =	shalt  }
0x65: {  	_ =	shalt  }
0x66: {  	_ =	shalt  }
0x67: {  	_ =	shalt  }
0x68: {  	_ =	shalt  }
0x69: {  	_ =	shalt  }
0x6a: {  	_ =	shalt  }
0x6b: {  	_ =	shalt  }
0x6c: {  	_ =	shalt  }
0x6d: {  	_ =	shalt  }
0x6e: {  	_ =	shalt  }
0x6f: {  	_ =	shalt  }
0x70: {  	_ =	shalt  }
0x71: {  	_ =	shalt  }
0x72: {  	_ =	shalt  }
0x73: {  	_ =	shalt  }
0x74: {  	_ =	shalt  }
0x75: {  	_ =	shalt  }
0x76: {  	_ =	shalt  }
0x77: {  	_ =	shalt  }
0x78: {  	_ =	shalt  }
0x79: {  	_ =	shalt  }
0x7a: {  	_ =	shalt  }
0x7b: {  	_ =	shalt  }
0x7c: {  	_ =	shalt  }
0x7d: {  	_ =	shalt  }
0x7e: {  	_ =	shalt  }
0x7f: {  	_ =	shalt  }
0x80: {  	_ =	shalt  }
0x81: {  	_ =	shalt  }
0x82: {  	_ =	shalt  }
0x83: {  	_ =	shalt  }
0x84: {  	_ =	shalt  }
0x85: {  	_ =	shalt  }
0x86: {  	_ =	shalt  }
0x87: {  	_ =	shalt  }
.Lfunc_end0:
.L_simem_size_0:
called_computation.1_lowered:
.L_overlay_start_0:
0x88: {  	s2 =	sld [smem:$0x3FD9]  }
0x89: {  	s3 =	sld [smem:$0x3FFE];
	_ =	sdelay $0x1  }
0x8a: {  	s1 =	srdreg.scid  }
0x8b: {  	s0 =	sand.u32 $0x1, s1  }
0x8c: {  	s17 =	sshll.u32 s0, $0xA;
	s2 =	sadd.s32 s3, s2  }
0x8d: {  	s2 =	sadd.s32 s2, s17  }
0x8e: {  	[smem:$0x3FC6] =	sst s2  }
0x8f: {  	_ = 	snop  }
0x90: {  	s2 =	sld [smem:$0x3FD0];
	(tm) =	ssettm $0x1  }
0x91: {  	s18 =	sld [smem:$0x3FFB];
	_ =	sdelay $0x3  }
0x92: {  	_ =	strace s18  }
0x93: {  	s3 =	sld [smem:$0x3FFC];
	_ =	sdelay $0x3  }
0x94: {  	_ =	strace s3  }
0x95: {  	s3 =	sld [smem:$0x3FFD];
	_ =	sdelay $0x3  }
0x96: {  	_ =	strace s3  }
0x97: {  	_ =	strace $0x8FFFFFFF  }
0x98: {  	s19 =	sld [smem:$0x3FDB];
	_ =	sdelay $0x1  }
0x99: {  	s4 =	simm.s32 $_scs_section_size  }
0x9a: {  	s5 =	simm.s32 $_size__tile_overlayer_lowered;
	s6 =	simm.s32 $_tile_overlayer_lowered  }
0x9b: {  	s22 =	simm.s32 $0x1BFF;
	s21 =	sshll.u32 s6, $0x1;
	s3 =	sadd.s32 s4, s19  }
0x9c: {  	s7 =	simm.s32 $0x0;
	s20 =	sshll.u32 s5, $0x1;
	s5 =	sadd.s32 s21, s3  }
0x9d: {  	[timem:s7], [sflag:s22] =	dma.local [hbm:s5], s20  }
0x9e: {  	_ =	swait.ge [sflag:s22], s20  }
0x9f: {  	s4 =	ssub.s32 $0x0, s20;
	[sflag:s22] =	ssyncset.done $0x0  }
0xa0: {  	[sflag:s22] =	ssyncadd.s32 s4;
	_ =	sdelay $0x1  }
0xa1: {  	s23 =	simm.s32 $0x1B8B  }
0xa2: {  	_ =	swait.ge [sflag:s23], $0x1  }
0xa3: {  	[sflag:s23] =	ssyncset.done $0x0  }
0xa4: {  	s25 =	simm.s32 $0x1B8E;
	s24 =	sld [smem:$0x3FFE];
	[sflag:s23] =	ssyncadd.s32 $0xFFFFFFFF  }
0xa5: {  	s26 =	simm.s32 $execute0_lowered;
	[smem:$0x3FD2] =	sst s25  }
0xa6: {  	s5 =	sshll.u32 s26, $0x1;
	_ =	strace $0x80000046;
	[dreg:$0x1] =	wrdreg $0xFFFFFFFF  }
0xa7: {  	s28 =	simm.s32 $_size_execute0_lowered;
	s3 =	sadd.s32 s3, s5;
	[dreg:$0x0] =	wrdreg $0x0  }
0xa8: {  	s5 =	sshll.u32 s28, $0x1;
	[dreg:$0x2] =	wrdreg s3  }
0xa9: {  	[dreg:$0x3] =	wrdreg s5  }
0xaa: {  	[dreg:$0x4] =	wrdreg $0xC0  }
0xab: {  	_ =	task [dreg:s7], $0x5FFFF  }
0xac: {  	[dreg:$0x1] =	wrdreg $0xFFFFFFFF  }
0xad: {  	[dreg:$0x0] =	wrdreg $0x60  }
0xae: {  	[dreg:$0x2] =	wrdreg s24  }
0xaf: {  	[dreg:$0x3] =	wrdreg s2  }
0xb0: {  	[dreg:$0x4] =	wrdreg $0x9  }
0xb1: {  	_ =	task.clear_ibuf [dreg:s7], $0x5FFFF;
	_ =	strace $0x90000046  }
0xb2: {  	s29 =	simm.s32 $0x9;
	_ =	strace $0x80000048  }
0xb3: {  	_ =	swait.ge [sflag:s29], $0x1  }
0xb4: {  	[sflag:s29] =	ssyncadd.s32 $0xFFFFFFFF  }
0xb5: {  	_ =	strace $0x90000048  }
0xb6: {  	_ =	sfence  }
0xb7: {  	s30 =	sld [smem:$0x0];
	_ =	sdelay $0x2  }
0xb8: {  	s31 =	sshll.u32 s1, $0xD;
	s1 =	sshrl.u32 s1, $0x2  }
0xb9: {  	s3 =	sand.u32 $0x4000, s31;
	s1 =	sadd.s32 s1, s30  }
0xba: {  	s0 =	sor.u32 s3, s0;
	s1 =	sshll.u32 s1, $0x11  }
0xbb: {  	s0 =	sor.u32 s1, s0  }
0xbc: {  	s0 =	sadd.s32 $0x8F2B, s0  }
0xbd: {  	[sflag:s0] =	ssyncadd.remote.s32 $0x1  }
0xbe: {  	_ =	sfence.sel $0xFFFF  }
0xbf: {  	[dreg:$0x0] =	wrdreg $0xFFFFFFFF;
	(pc) =	sbr.abs _section_cstart, $3  }
0xc0: {  	[dreg:$0x1] =	wrdreg $0xFFFFFFFF  }
0xc1: {  	_ =	task.clear_ibuf [dreg:s7], $0x2FFFF;
	_ =	strace $0x9FFFFFFF  }
0xc2: {  	(tm) =	ssettm $0x7FFFFFFF  }
0xc3: {  	_ =	shalt  }
tec
execute0_lowered:
.L_overlay_start_1:
0x0: {  	(tag) =	ssettag $0x1  }
0x1: {  	s0 =	srdreg.scid  }
0x2: {  	s2 =	stileid.u32;
	s1 =	rddreg [dreg:$0x0]  }
0x3: {  	s13 =	simm.s32 $0x80;
	s22 =	simm.s32 $0x1;
	s23 =	simm.s32 $0x10400  }
0x4: {  	s24 =	simm.s32 $0x2;
	s28 =	simm.s32 $0x14400;
	s29 =	simm.s32 $0x4  }
0x5: {  	s30 =	simm.s32 $0x16400;
	s31 =	simm.s32 $0x5;
	s14 =	simm.s32 $0x7  }
0x6: {  	s15 =	simm.s32 $0x8;
	s16 =	simm.s32 $0x9;
	s17 =	simm.s32 $0xA  }
0x7: {  	s18 =	simm.s32 $0x0;
	s0 =	sand.u32 $0x1, s0;
	s3 =	sshll.u32 s2, $0x1  }
0x8: {  	s4 =	sor.u32 s0, s3;
	s3 =	simm.s32 $0x0;
	s0 =	ssub.s32 $0x2, s0  }
0x9: {  	s4 =	smul.u32 $0x6400, s4;
	[smem:$0x7FF] =	sst s3;
	s25 =	sshrl.u32 s0, $0x1  }
0xa: {  	s2 =	rddreg [dreg:$0x1];
	_ =	strace $0x80000047;
	s0 =	ssub.s32 s0, s25  }
0xb: {  	s25 =	simm.s32 $0x12400;
	s5 =	sshrl.u32 s4, $0x3;
	s7 =	sor.u32 $0x80, s4  }
0xc: {  	s8 =	sor.u32 $0x100, s4;
	s9 =	sor.u32 $0x180, s4;
	s10 =	sor.u32 $0x200, s4  }
0xd: {  	s0 =	smax.u32 s0, $0x1;
	s6 =	sadd.s32 s5, s1;
	s5 =	sadd.s32 $0xF42E00, s1  }
0xe: {  	[dreg:$0x4] =	wrdreg s0;
	s1 =	simm.s32 $0x18400;
	s26 =	sadd.s32 $0xA00, s6  }
0xf: {  	s0 =	simm.s32 $0x6;
	[dreg:$0x3] =	wrdreg s26;
	s26 =	simm.s32 $0x3  }
.LBB2_1:
0x10: {  	s6 =	rddreg [dreg:$0x3];
	s12 =	simm.s32 $0xB  }
0x11: {  	[tilespmem:s3], [sflag:$0xB] =	stream.linear.gather [hbm4b:s6+s3], $0x6400, $0x38;
	[tilespmem:$0x1A400] =	vst v63  }
0x12: {  	_ =	swait.ge [sflag:s12], $0x6400  }
0x13: {  	[sflag:s12] =	ssyncset.done $0x0  }
0x14: {  	s19 =	simm.s32 $0x6400;
	[sflag:s12] =	ssyncadd.s32 $0xFFFF9C00  }
0x15: {  	[tilespmem:s19], [sflag:$0x1] =	stream.indirect.gather [hbm4b:s5+s13], $0x40, s3, s13, $0xb8;
	[tilespmem:$0x1A400] =	vst v63  }
0x16: {  	s20 =	simm.s32 $0x8400  }
0x17: {  	[tilespmem:s20], [sflag:$0x2] =	stream.indirect.gather [hbm4b:s5+s13], $0x40, s13, s13, $0xb8;
	[tilespmem:$0x1A400] =	vst v63  }
0x18: {  	s21 =	simm.s32 $0x100;
	s11 =	simm.s32 $0xA400  }
0x19: {  	[tilespmem:s11], [sflag:$0x3] =	stream.indirect.gather [hbm4b:s5+s13], $0x40, s21, s13, $0xb8;
	[tilespmem:$0x1A400] =	vst v63  }
0x1a: {  	s12 =	simm.s32 $0x180;
	s19 =	simm.s32 $0xC400  }
0x1b: {  	[tilespmem:s19], [sflag:$0x4] =	stream.indirect.gather [hbm4b:s5+s13], $0x40, s12, s13, $0xb8;
	[tilespmem:$0x1A400] =	vst v63  }
0x1c: {  	s20 =	simm.s32 $0x200;
	s21 =	simm.s32 $0xE400;
	s19 =	simm.s32 $0x0  }
0x1d: {  	[tilespmem:s21], [sflag:$0x5] =	stream.indirect.gather [hbm4b:s5+s13], $0x40, s20, s13, $0xb8;
	[tilespmem:$0x1A400] =	vst v63  }
.LBB2_2:
0x1e: {  	_ =	swait.ge [sflag:s22], $0x2000  }
0x1f: {  	p1 =	seq.s32 s19, $0x0;
	[sflag:s22] =	ssyncset.done $0x0  }
0x20: {  	s6 =	simm.s32 @!p1 $0x6;
	[sflag:s22] =	ssyncadd.s32 $0xFFFFE000  }
0x21: {  	_ =	swait.ge @!p1 [sflag:s6], $0x2000  }
0x22: {  	[sflag:s6] =	ssyncset.done @!p1 $0x0  }
0x23: {  	s21 =	simm.s32 $0x0;
	[sflag:s6] =	ssyncadd.s32 @!p1 $0xFFFFE000  }
0x24: {  	v3 =	vld [tilespmem:s21+$0x6430]  }
0x25: {  	v1 =	vld [tilespmem:s21+$0x6400]  }
0x26: {  	v2 =	vld [tilespmem:s21+$0x6410]  }
0x27: {  	v0 =	vld [tilespmem:s21+$0x6420]  }
0x28: {  	s6 =	simm.s32 $0x100  }
.LBB2_3:
0x29: {  	s11 =	sshra.s32 s6, $0x2;
	p0 =	sne.s32 s6, $0x7F00;
	s6 =	sadd.s32 $0x100, s6;
	v4 =	vmul.f32 $1.250000000e-01, v3  }
.Ltmp0:
0x2a: {  	v3 =	vld [tilespmem:s11+$0x6430];
	v5 =	vmul.f32 $1.250000000e-01, v1;
	(pc) =	sbr.rel @p0 .LBB2_3-.Ltmp0, $4  }
0x2b: {  	v1 =	vld [tilespmem:s11+$0x6400];
	v6 =	vmul.f32 $1.250000000e-01, v2;
	[tilespmem:s21+$0x10430] =	vst v4  }
0x2c: {  	v2 =	vld [tilespmem:s11+$0x6410];
	[tilespmem:s21+$0x10400] =	vst v5;
	v4 =	vmul.f32 $1.250000000e-01, v0  }
0x2d: {  	v0 =	vld [tilespmem:s11+$0x6420];
	[tilespmem:s21+$0x10410] =	vst v6  }
0x2e: {  	[tilespmem:s21+$0x10420] =	vst v4;
	s21 =	smov.u32 s11  }
0x2f: {  	v3 =	vmul.f32 $1.250000000e-01, v3  }
0x30: {  	p0 =	seq.s32 s19, $0x27;
	v1 =	vmul.f32 $1.250000000e-01, v1  }
0x31: {  	s6 =	smul.u32 @!p0 $0xA00, s19;
	v2 =	vmul.f32 $1.250000000e-01, v2;
	[tilespmem:s21+$0x10430] =	vst v3  }
0x32: {  	[tilespmem:s21+$0x10400] =	vst v1;
	v0 =	vmul.f32 $1.250000000e-01, v0  }
0x33: {  	s11 =	simm.s32 @!p0 $0x80;
	s20 =	sshra.s32 @!p0 s6, $0x2;
	[tilespmem:s21+$0x10410] =	vst v2  }
0x34: {  	s12 =	simm.s32 @!p0 $0x6400;
	s6 =	sadd.s32 @!p0 $0x280, s20;
	[tilespmem:s21+$0x10420] =	vst v0;
	s21 =	smul.u32 $0x280, s19  }
0x35: {  	[tilespmem:s12], [sflag:$0x1] =	stream.indirect.gather @!p0 [hbm4b:s5+s11], $0x40, s6, s11, $0xb8;
	[tilespmem:$0x1A400] =	vst v63  }
0x36: {  	s12 =	sadd.s32 s4, s21  }
0x37: {  	s6 =	sshll.u32 s12, $0x3  }
0x38: {  	s6 =	sadd.s32 s2, s6  }
0x39: {  	[hbm4b:s6+s3] =	stream.linear.scatter [tilespmem:s23], [sflag:$0x6], $0x2000, $0x38;
	[tilespmem:$0x1A400] =	vst v63  }
0x3a: {  	_ =	swait.ge [sflag:s24], $0x2000  }
0x3b: {  	[sflag:s24] =	ssyncset.done $0x0  }
0x3c: {  	s6 =	simm.s32 @!p1 $0x7;
	[sflag:s24] =	ssyncadd.s32 $0xFFFFE000  }
0x3d: {  	_ =	swait.ge @!p1 [sflag:s6], $0x2000  }
0x3e: {  	[sflag:s6] =	ssyncset.done @!p1 $0x0  }
0x3f: {  	[sflag:s6] =	ssyncadd.s32 @!p1 $0xFFFFE000;
	s6 =	simm.s32 $0x0  }
0x40: {  	v1 =	vld [tilespmem:s6+$0x8430]  }
0x41: {  	v2 =	vld [tilespmem:s6+$0x8400]  }
0x42: {  	v3 =	vld [tilespmem:s6+$0x8410]  }
0x43: {  	v0 =	vld [tilespmem:s6+$0x8420]  }
0x44: {  	s11 =	simm.s32 $0x100  }
.LBB2_5:
0x45: {  	s12 =	sshra.s32 s11, $0x2;
	p2 =	sne.s32 s11, $0x7F00;
	s11 =	sadd.s32 $0x100, s11;
	v4 =	vmul.f32 $1.250000000e-01, v1  }
.Ltmp1:
0x46: {  	v1 =	vld [tilespmem:s12+$0x8430];
	v5 =	vmul.f32 $1.250000000e-01, v2;
	(pc) =	sbr.rel @p2 .LBB2_5-.Ltmp1, $4  }
0x47: {  	v2 =	vld [tilespmem:s12+$0x8400];
	v6 =	vmul.f32 $1.250000000e-01, v3;
	[tilespmem:s6+$0x12430] =	vst v4  }
0x48: {  	v3 =	vld [tilespmem:s12+$0x8410];
	[tilespmem:s6+$0x12400] =	vst v5;
	v4 =	vmul.f32 $1.250000000e-01, v0  }
0x49: {  	v0 =	vld [tilespmem:s12+$0x8420];
	[tilespmem:s6+$0x12410] =	vst v6  }
0x4a: {  	[tilespmem:s6+$0x12420] =	vst v4;
	s6 =	smov.u32 s12  }
0x4b: {  	v1 =	vmul.f32 $1.250000000e-01, v1  }
0x4c: {  	v2 =	vmul.f32 $1.250000000e-01, v2  }
0x4d: {  	v3 =	vmul.f32 $1.250000000e-01, v3;
	[tilespmem:s6+$0x12430] =	vst v1  }
0x4e: {  	[tilespmem:s6+$0x12400] =	vst v2;
	v0 =	vmul.f32 $1.250000000e-01, v0  }
0x4f: {  	[tilespmem:s6+$0x12410] =	vst v3  }
0x50: {  	s11 =	simm.s32 @!p0 $0x80;
	s12 =	simm.s32 @!p0 $0x8400;
	[tilespmem:s6+$0x12420] =	vst v0;
	s6 =	sadd.s32 @!p0 $0x300, s20  }
0x51: {  	[tilespmem:s12], [sflag:$0x2] =	stream.indirect.gather @!p0 [hbm4b:s5+s11], $0x40, s6, s11, $0xb8;
	[tilespmem:$0x1A400] =	vst v63  }
0x52: {  	s12 =	sadd.s32 s21, s7  }
0x53: {  	s6 =	sshll.u32 s12, $0x3  }
0x54: {  	s6 =	sand.u32 $0x1FFFFC00, s6  }
0x55: {  	s6 =	sadd.s32 s2, s6  }
0x56: {  	[hbm4b:s6+s3] =	stream.linear.scatter [tilespmem:s25], [sflag:$0x7], $0x2000, $0x38;
	[tilespmem:$0x1A400] =	vst v63  }
0x57: {  	_ =	swait.ge [sflag:s26], $0x2000  }
0x58: {  	[sflag:s26] =	ssyncset.done $0x0  }
0x59: {  	s6 =	simm.s32 @!p1 $0x8;
	[sflag:s26] =	ssyncadd.s32 $0xFFFFE000  }
0x5a: {  	_ =	swait.ge @!p1 [sflag:s6], $0x2000  }
0x5b: {  	[sflag:s6] =	ssyncset.done @!p1 $0x0  }
0x5c: {  	[sflag:s6] =	ssyncadd.s32 @!p1 $0xFFFFE000;
	s6 =	simm.s32 $0x0  }
0x5d: {  	v1 =	vld [tilespmem:s6+$0xA430]  }
0x5e: {  	v2 =	vld [tilespmem:s6+$0xA400]  }
0x5f: {  	v3 =	vld [tilespmem:s6+$0xA410]  }
0x60: {  	v0 =	vld [tilespmem:s6+$0xA420]  }
0x61: {  	s11 =	simm.s32 $0x100  }
.LBB2_7:
0x62: {  	s12 =	sshra.s32 s11, $0x2;
	p2 =	sne.s32 s11, $0x7F00;
	s11 =	sadd.s32 $0x100, s11;
	v4 =	vmul.f32 $1.250000000e-01, v1  }
.Ltmp2:
0x63: {  	v1 =	vld [tilespmem:s12+$0xA430];
	v5 =	vmul.f32 $1.250000000e-01, v2;
	(pc) =	sbr.rel @p2 .LBB2_7-.Ltmp2, $4  }
0x64: {  	v2 =	vld [tilespmem:s12+$0xA400];
	v6 =	vmul.f32 $1.250000000e-01, v3;
	[tilespmem:s6+$0x14430] =	vst v4  }
0x65: {  	v3 =	vld [tilespmem:s12+$0xA410];
	[tilespmem:s6+$0x14400] =	vst v5;
	v4 =	vmul.f32 $1.250000000e-01, v0  }
0x66: {  	v0 =	vld [tilespmem:s12+$0xA420];
	[tilespmem:s6+$0x14410] =	vst v6  }
0x67: {  	[tilespmem:s6+$0x14420] =	vst v4;
	s6 =	smov.u32 s12  }
0x68: {  	v1 =	vmul.f32 $1.250000000e-01, v1  }
0x69: {  	v2 =	vmul.f32 $1.250000000e-01, v2  }
0x6a: {  	v3 =	vmul.f32 $1.250000000e-01, v3;
	[tilespmem:s6+$0x14430] =	vst v1  }
0x6b: {  	[tilespmem:s6+$0x14400] =	vst v2;
	v0 =	vmul.f32 $1.250000000e-01, v0  }
0x6c: {  	[tilespmem:s6+$0x14410] =	vst v3  }
0x6d: {  	s11 =	simm.s32 @!p0 $0x80;
	s12 =	simm.s32 @!p0 $0xA400;
	[tilespmem:s6+$0x14420] =	vst v0;
	s6 =	sadd.s32 @!p0 $0x380, s20  }
0x6e: {  	[tilespmem:s12], [sflag:$0x3] =	stream.indirect.gather @!p0 [hbm4b:s5+s11], $0x40, s6, s11, $0xb8;
	[tilespmem:$0x1A400] =	vst v63  }
0x6f: {  	s12 =	sadd.s32 s21, s8  }
0x70: {  	s6 =	sshll.u32 s12, $0x3  }
0x71: {  	s6 =	sand.u32 $0x1FFFFC00, s6  }
0x72: {  	s6 =	sadd.s32 s2, s6  }
0x73: {  	[hbm4b:s6+s3] =	stream.linear.scatter [tilespmem:s28], [sflag:$0x8], $0x2000, $0x38;
	[tilespmem:$0x1A400] =	vst v63  }
0x74: {  	_ =	swait.ge [sflag:s29], $0x2000  }
0x75: {  	[sflag:s29] =	ssyncset.done $0x0  }
0x76: {  	s6 =	simm.s32 @!p1 $0x9;
	[sflag:s29] =	ssyncadd.s32 $0xFFFFE000  }
0x77: {  	_ =	swait.ge @!p1 [sflag:s6], $0x2000  }
0x78: {  	[sflag:s6] =	ssyncset.done @!p1 $0x0  }
0x79: {  	[sflag:s6] =	ssyncadd.s32 @!p1 $0xFFFFE000;
	s6 =	simm.s32 $0x0  }
0x7a: {  	v1 =	vld [tilespmem:s6+$0xC430]  }
0x7b: {  	v2 =	vld [tilespmem:s6+$0xC400]  }
0x7c: {  	v3 =	vld [tilespmem:s6+$0xC410]  }
0x7d: {  	v0 =	vld [tilespmem:s6+$0xC420]  }
0x7e: {  	s11 =	simm.s32 $0x100  }
.LBB2_9:
0x7f: {  	s12 =	sshra.s32 s11, $0x2;
	p2 =	sne.s32 s11, $0x7F00;
	s11 =	sadd.s32 $0x100, s11;
	v4 =	vmul.f32 $1.250000000e-01, v1  }
.Ltmp3:
0x80: {  	v1 =	vld [tilespmem:s12+$0xC430];
	v5 =	vmul.f32 $1.250000000e-01, v2;
	(pc) =	sbr.rel @p2 .LBB2_9-.Ltmp3, $4  }
0x81: {  	v2 =	vld [tilespmem:s12+$0xC400];
	v6 =	vmul.f32 $1.250000000e-01, v3;
	[tilespmem:s6+$0x16430] =	vst v4  }
0x82: {  	v3 =	vld [tilespmem:s12+$0xC410];
	[tilespmem:s6+$0x16400] =	vst v5;
	v4 =	vmul.f32 $1.250000000e-01, v0  }
0x83: {  	v0 =	vld [tilespmem:s12+$0xC420];
	[tilespmem:s6+$0x16410] =	vst v6  }
0x84: {  	[tilespmem:s6+$0x16420] =	vst v4;
	s6 =	smov.u32 s12  }
0x85: {  	v1 =	vmul.f32 $1.250000000e-01, v1  }
0x86: {  	v2 =	vmul.f32 $1.250000000e-01, v2  }
0x87: {  	v3 =	vmul.f32 $1.250000000e-01, v3;
	[tilespmem:s6+$0x16430] =	vst v1  }
0x88: {  	[tilespmem:s6+$0x16400] =	vst v2;
	v0 =	vmul.f32 $1.250000000e-01, v0  }
0x89: {  	[tilespmem:s6+$0x16410] =	vst v3  }
0x8a: {  	s11 =	simm.s32 @!p0 $0x80;
	s12 =	simm.s32 @!p0 $0xC400;
	[tilespmem:s6+$0x16420] =	vst v0;
	s6 =	sadd.s32 @!p0 $0x400, s20  }
0x8b: {  	[tilespmem:s12], [sflag:$0x4] =	stream.indirect.gather @!p0 [hbm4b:s5+s11], $0x40, s6, s11, $0xb8;
	[tilespmem:$0x1A400] =	vst v63  }
0x8c: {  	s12 =	sadd.s32 s21, s9  }
0x8d: {  	s6 =	sshll.u32 s12, $0x3  }
0x8e: {  	s6 =	sand.u32 $0x1FFFFC00, s6  }
0x8f: {  	s6 =	sadd.s32 s2, s6  }
0x90: {  	[hbm4b:s6+s3] =	stream.linear.scatter [tilespmem:s30], [sflag:$0x9], $0x2000, $0x38;
	[tilespmem:$0x1A400] =	vst v63  }
0x91: {  	_ =	swait.ge [sflag:s31], $0x2000  }
0x92: {  	[sflag:s31] =	ssyncset.done $0x0  }
0x93: {  	s6 =	simm.s32 @!p1 $0xA;
	[sflag:s31] =	ssyncadd.s32 $0xFFFFE000  }
0x94: {  	_ =	swait.ge @!p1 [sflag:s6], $0x2000  }
0x95: {  	[sflag:s6] =	ssyncset.done @!p1 $0x0  }
0x96: {  	[sflag:s6] =	ssyncadd.s32 @!p1 $0xFFFFE000;
	s6 =	simm.s32 $0x0  }
0x97: {  	v1 =	vld [tilespmem:s6+$0xE430]  }
0x98: {  	v2 =	vld [tilespmem:s6+$0xE400]  }
0x99: {  	v3 =	vld [tilespmem:s6+$0xE410]  }
0x9a: {  	v0 =	vld [tilespmem:s6+$0xE420]  }
0x9b: {  	s11 =	simm.s32 $0x100  }
.LBB2_11:
0x9c: {  	s12 =	sshra.s32 s11, $0x2;
	p1 =	sne.s32 s11, $0x7F00;
	s11 =	sadd.s32 $0x100, s11;
	v4 =	vmul.f32 $1.250000000e-01, v1  }
.Ltmp4:
0x9d: {  	v1 =	vld [tilespmem:s12+$0xE430];
	v5 =	vmul.f32 $1.250000000e-01, v2;
	(pc) =	sbr.rel @p1 .LBB2_11-.Ltmp4, $4  }
0x9e: {  	v2 =	vld [tilespmem:s12+$0xE400];
	v6 =	vmul.f32 $1.250000000e-01, v3;
	[tilespmem:s6+$0x18430] =	vst v4  }
0x9f: {  	v3 =	vld [tilespmem:s12+$0xE410];
	[tilespmem:s6+$0x18400] =	vst v5;
	v4 =	vmul.f32 $1.250000000e-01, v0  }
0xa0: {  	v0 =	vld [tilespmem:s12+$0xE420];
	[tilespmem:s6+$0x18410] =	vst v6  }
0xa1: {  	[tilespmem:s6+$0x18420] =	vst v4;
	s6 =	smov.u32 s12  }
0xa2: {  	v1 =	vmul.f32 $1.250000000e-01, v1  }
0xa3: {  	v2 =	vmul.f32 $1.250000000e-01, v2  }
0xa4: {  	v3 =	vmul.f32 $1.250000000e-01, v3;
	[tilespmem:s6+$0x18430] =	vst v1  }
0xa5: {  	[tilespmem:s6+$0x18400] =	vst v2;
	v0 =	vmul.f32 $1.250000000e-01, v0  }
0xa6: {  	s11 =	simm.s32 @!p0 $0x80;
	[tilespmem:s6+$0x18410] =	vst v3  }
0xa7: {  	s12 =	simm.s32 @!p0 $0xE400;
	s19 =	sadd.s32 $0x1, s19;
	[tilespmem:s6+$0x18420] =	vst v0;
	s6 =	sadd.s32 @!p0 $0x480, s20  }
0xa8: {  	[tilespmem:s12], [sflag:$0x5] =	stream.indirect.gather @!p0 [hbm4b:s5+s11], $0x40, s6, s11, $0xb8;
	[tilespmem:$0x1A400] =	vst v63  }
0xa9: {  	p0 =	sne.s32 s19, $0x28  }
.Ltmp5:
0xaa: {  	s21 =	sadd.s32 s21, s10;
	(pc) =	sbr.rel @p0 .LBB2_2-.Ltmp5, $4  }
0xab: {  	s6 =	sshll.u32 s21, $0x3  }
0xac: {  	s6 =	sand.u32 $0x1FFFFC00, s6  }
0xad: {  	s6 =	sadd.s32 s2, s6  }
0xae: {  	[hbm4b:s6+s3] =	stream.linear.scatter [tilespmem:s1], [sflag:$0xA], $0x2000, $0x38;
	[tilespmem:$0x1A400] =	vst v63  }
0xaf: {  	_ =	swait.ge [sflag:s0], $0x2000  }
0xb0: {  	[sflag:s0] =	ssyncset.done $0x0  }
0xb1: {  	[sflag:s0] =	ssyncadd.s32 $0xFFFFE000  }
0xb2: {  	_ =	swait.ge [sflag:s14], $0x2000  }
0xb3: {  	[sflag:s14] =	ssyncset.done $0x0  }
0xb4: {  	[sflag:s14] =	ssyncadd.s32 $0xFFFFE000  }
0xb5: {  	_ =	swait.ge [sflag:s15], $0x2000  }
0xb6: {  	[sflag:s15] =	ssyncset.done $0x0  }
0xb7: {  	[sflag:s15] =	ssyncadd.s32 $0xFFFFE000  }
0xb8: {  	_ =	swait.ge [sflag:s16], $0x2000  }
0xb9: {  	[sflag:s16] =	ssyncset.done $0x0  }
0xba: {  	[sflag:s16] =	ssyncadd.s32 $0xFFFFE000  }
0xbb: {  	_ =	swait.ge [sflag:s17], $0x2000  }
0xbc: {  	s18 =	sadd.s32 $0x1, s18;
	s6 =	rddreg [dreg:$0x4]  }
0xbd: {  	p0 =	sne.s32 s18, s6  }
.Ltmp6:
0xbe: {  	_ = 	snop;
	(pc) =	sbr.rel @p0 .LBB2_1-.Ltmp6, $3  }
0xbf: {  	_ =	sdelay $0x1  }
0xc0: {  	[sflag:s17] =	ssyncset.done $0x0  }
0xc1: {  	[sflag:s17] =	ssyncadd.s32 $0xFFFFE000  }
0xc2: {  	_ =	sfence.sel $0x180000  }
0xc3: {  	[bflag:$0x0] =	sbarrier.arrive $0xFFFF  }
0xc4: {  	_ =	strace $0x90000047  }
0xc5: {  	s0 =	stileid.u32;
	[bflag:$0x2] =	sbarrier.arrive $0xFFFF  }
0xc6: {  	p0 =	sne.s32 s0, $0x0;
	s0 =	rddreg [dreg:$0x2]  }
0xc7: {  	s0 =	sadd.s32 @!p0 $0x100000, s0  }
0xc8: {  	[sflag:s0] =	ssyncadd.tile.s32 @!p0 $0x1;
	_ =	shalt  }
.Lfunc_end2:
_tile_overlayer_lowered:
.L_overlay_start_2:
0xc9: {  	(tag) =	ssettag $0x2  }
0xca: {  	s0 =	rddreg [dreg:$0x0];
	s2 =	stileid.u32  }
0xcb: {  	s1 =	rddreg [dreg:$0x1];
	p0 =	sne.s32 s2, $0x0  }
0xcc: {  	s3 =	rddreg [dreg:$0x2];
	[bflag:$0x3] =	sbarrier.arrive $0xFFFF;
	s2 =	simm.s32 @!p0 $0x1C0B  }
0xcd: {  	[timem:s3], [sflag:s2] =	dma.local @!p0 [hbm:s0], s1  }
0xce: {  	s0 =	simm.s32 @!p0 $0xB  }
0xcf: {  	_ =	swait.ge @!p0 [sflag:s0], s1  }
0xd0: {  	s1 =	ssub.s32 @!p0 $0x0, s1;
	[sflag:s0] =	ssyncset.done @!p0 $0x0  }
0xd1: {  	[sflag:s0] =	ssyncadd.s32 @!p0 s1  }
0xd2: {  	[bflag:$0x3] =	sbarrier.arrive $0xFFFF  }
0xd3: {  	_ =	shalt  }

// kernel: sparse-core-data-format-call.cloned.1.call-start
scs
called_computation_lowered:
.L_overlay_start_0:
0x0: {  	s2 =	sld [smem:$0x3FD9]  }
0x1: {  	s3 =	sld [smem:$0x3FFE];
	_ =	sdelay $0x1  }
0x2: {  	s1 =	srdreg.scid  }
0x3: {  	s0 =	sand.u32 $0x1, s1  }
0x4: {  	s18 =	sshll.u32 s0, $0xA;
	s2 =	sadd.s32 s3, s2  }
0x5: {  	s2 =	sadd.s32 s2, s18  }
0x6: {  	[smem:$0x3FC6] =	sst s2  }
0x7: {  	_ = 	snop  }
0x8: {  	s2 =	sld [smem:$0x3FD0];
	(tm) =	ssettm $0x1  }
0x9: {  	s19 =	sld [smem:$0x3FFB];
	_ =	sdelay $0x3  }
0xa: {  	_ =	strace s19  }
0xb: {  	s3 =	sld [smem:$0x3FFC];
	_ =	sdelay $0x3  }
0xc: {  	_ =	strace s3  }
0xd: {  	s3 =	sld [smem:$0x3FFD];
	_ =	sdelay $0x3  }
0xe: {  	_ =	strace s3  }
0xf: {  	_ =	strace $0x8FFFFFFF  }
0x10: {  	s20 =	sld [smem:$0x3FDB];
	_ =	sdelay $0x1  }
0x11: {  	s4 =	simm.s32 $_scs_section_size  }
0x12: {  	s5 =	simm.s32 $_size__tile_overlayer_lowered;
	s6 =	simm.s32 $_tile_overlayer_lowered  }
0x13: {  	s23 =	simm.s32 $0x1BFF;
	s22 =	sshll.u32 s6, $0x1;
	s3 =	sadd.s32 s4, s20  }
0x14: {  	s7 =	simm.s32 $0x0;
	s21 =	sshll.u32 s5, $0x1;
	s5 =	sadd.s32 s22, s3  }
0x15: {  	[timem:s7], [sflag:s23] =	dma.local [hbm:s5], s21  }
0x16: {  	_ =	swait.ge [sflag:s23], s21  }
0x17: {  	s4 =	ssub.s32 $0x0, s21;
	[sflag:s23] =	ssyncset.done $0x0  }
0x18: {  	[sflag:s23] =	ssyncadd.s32 s4;
	_ =	sdelay $0x1  }
0x19: {  	s24 =	simm.s32 $0x1B8B  }
0x1a: {  	_ =	swait.ge [sflag:s24], $0x1  }
0x1b: {  	[sflag:s24] =	ssyncset.done $0x0  }
0x1c: {  	s26 =	simm.s32 $0x1B8E;
	s25 =	sld [smem:$0x3FFE];
	[sflag:s24] =	ssyncadd.s32 $0xFFFFFFFF  }
0x1d: {  	s27 =	simm.s32 $execute0_lowered;
	[smem:$0x3FD2] =	sst s26  }
0x1e: {  	s5 =	sshll.u32 s27, $0x1;
	_ =	strace $0x80000049;
	[dreg:$0x1] =	wrdreg $0xFFFFFFFF  }
0x1f: {  	s28 =	simm.s32 $_size_execute0_lowered;
	s3 =	sadd.s32 s3, s5;
	[dreg:$0x0] =	wrdreg $0x0  }
0x20: {  	s5 =	sshll.u32 s28, $0x1;
	[dreg:$0x2] =	wrdreg s3  }
0x21: {  	[dreg:$0x3] =	wrdreg s5  }
0x22: {  	[dreg:$0x4] =	wrdreg $0xC0  }
0x23: {  	_ =	task [dreg:s7], $0x5FFFF  }
0x24: {  	[dreg:$0x1] =	wrdreg $0xFFFFFFFF  }
0x25: {  	[dreg:$0x0] =	wrdreg $0x60  }
0x26: {  	[dreg:$0x2] =	wrdreg s25  }
0x27: {  	[dreg:$0x3] =	wrdreg s2  }
0x28: {  	[dreg:$0x4] =	wrdreg $0x9  }
0x29: {  	_ =	task.clear_ibuf [dreg:s7], $0x5FFFF;
	_ =	strace $0x90000049  }
0x2a: {  	s29 =	simm.s32 $0x9;
	_ =	strace $0x8000004B  }
0x2b: {  	_ =	swait.ge [sflag:s29], $0x1  }
0x2c: {  	[sflag:s29] =	ssyncadd.s32 $0xFFFFFFFF  }
0x2d: {  	_ =	strace $0x9000004B  }
0x2e: {  	_ =	sfence  }
0x2f: {  	s30 =	sld [smem:$0x0];
	_ =	sdelay $0x2  }
0x30: {  	s31 =	sshll.u32 s1, $0xD;
	s1 =	sshrl.u32 s1, $0x2  }
0x31: {  	s3 =	sand.u32 $0x4000, s31;
	s1 =	sadd.s32 s1, s30  }
0x32: {  	s0 =	sor.u32 s3, s0;
	s1 =	sshll.u32 s1, $0x11  }
0x33: {  	s0 =	sor.u32 s1, s0  }
0x34: {  	s0 =	sadd.s32 $0x8F2B, s0  }
0x35: {  	[sflag:s0] =	ssyncadd.remote.s32 $0x1  }
0x36: {  	_ =	sfence.sel $0xFFFF  }
0x37: {  	[dreg:$0x0] =	wrdreg $0xFFFFFFFF;
	(pc) =	sbr.abs _section_cstart, $3  }
0x38: {  	[dreg:$0x1] =	wrdreg $0xFFFFFFFF  }
0x39: {  	_ =	task.clear_ibuf [dreg:s7], $0x2FFFF;
	_ =	strace $0x9FFFFFFF  }
0x3a: {  	(tm) =	ssettm $0x7FFFFFFF  }
0x3b: {  	_ =	shalt  }
tec
execute0_lowered:
.L_overlay_start_1:
0x0: {  	(tag) =	ssettag $0x1  }
0x1: {  	s0 =	srdreg.scid  }
0x2: {  	s1 =	sshll.u32 s0, $0x4  }
0x3: {  	s0 =	stileid.u32;
	s1 =	sand.u32 $0x10, s1  }
0x4: {  	s1 =	sor.u32 s0, s1  }
0x5: {  	s6 =	rddreg [dreg:$0x0];
	s4 =	simm.s32 $0x1;
	s2 =	sshll.u32 s1, $0x7  }
0x6: {  	s7 =	simm.s32 $0x2;
	s12 =	simm.s32 $0x0;
	s1 =	ssub.s32 $0x1000, s2  }
0x7: {  	s8 =	simm.s32 $0x8000;
	s13 =	simm.s32 $0x0;
	s3 =	sand.u32 $0xF80, s1  }
0x8: {  	s9 =	simm.s32 $0x0;
	s5 =	sshrl.u32 s1, $0xC;
	p0 =	sne.s32 s3, $0x0  }
.Ltmp0:
0x9: {  	s1 =	rddreg [dreg:$0x2];
	s4 =	simm.s32 @!p0 $0x0;
	(pc) =	sbr.rel .LBB1_1-.Ltmp0, $4  }
0xa: {  	s11 =	simm.s32 $0x0;
	s3 =	rddreg [dreg:$0x1];
	s5 =	sadd.s32 s4, s5  }
0xb: {  	_ =	strace $0x8000004A;
	s4 =	simm.s32 $0x1;
	s5 =	smul.u32 $0xC8, s5  }
0xc: {  	s6 =	sadd.s32 $0xA00, s6;
	s10 =	smov.u32 s2;
	[sflag:s4] =	ssyncpa.u1 $0x0  }
0xd: {  	p0 =	por $0x0, $0x0;
	[sflag:s7] =	ssyncpa.u1 $0x0;
	s7 =	sor.u32 $0x1, s5  }
.LBB1_4:
0xe: {  	s16 =	sshll.u32 s13, $0x3;
	s17 =	sand.u32 $0x78, s13  }
0xf: {  	s30 =	sand.u32 $0x7E00, s13;
	s12 =	sshll.u32 s12, $0xF;
	s16 =	sand.u32 $0xC00, s16  }
0x10: {  	[tilespmem:s15+$0x810 ss:$0x81] =	vst.msk $0xffff, v2;
	s31 =	sand.u32 $0x7, s13;
	s16 =	sor.u32 s17, s16;
	s17 =	sadd.s32 s3, s30  }
0x11: {  	[tilespmem:s15+$0x1020 ss:$0x81] =	vst.msk $0xffff, v0;
	s13 =	sshll.u32 s31, $0x12;
	s12 =	sadd.s32 s12, s17;
	s16 =	sshrl.u32 s16, $0x3  }
0x12: {  	[tilespmem:s15+$0x0 ss:$0x81] =	vst.msk $0xffff, v1;
	s13 =	sor.u32 $0x400, s13;
	s12 =	sadd.s32 s16, s12  }
0x13: {  	[hbm4b:s12+s13] =	stream.strided.scatter [tilespmem:s14], [sflag:$0x2], $0x2000, s8, s13, $0x20;
	[tilespmem:$0x8080] =	vst v63  }
.LBB1_5:
0x14: {  	s14 =	sadd.s32 $0x1, s9  }
0x15: {  	s12 =	sadd.s32 $0x1000, s10;
	s16 =	smov.u32 s10;
	p2 =	sgt.s32 s14, $0xC7  }
0x16: {  	s16 =	smov.u32 @p2 s12  }
0x17: {  	s14 =	simm.s32 @p2 $0x0;
	p2 =	sgt.s32 s16, $0xFFF  }
0x18: {  	s16 =	smov.u32 @p2 s2;
	p2 =	sne.s32 s11, s7  }
.Ltmp1:
0x19: {  	p1 =	slt.u32 s11, $0x2;
	(pc) =	sbr.rel @!p2 .LBB1_6-.Ltmp1, $4  }
0x1a: {  	s15 =	simm.s32 @!p1 $0x2  }
0x1b: {  	s13 =	smov.u32 s10;
	p0 =	por !p0, !p0;
	_ =	swait.ge @!p1 [sflag:s15], $0x2000  }
0x1c: {  	s12 =	smov.u32 s9;
	[sflag:s15] =	ssyncset.done @!p1 $0x0;
	s9 =	smov.u32 s14  }
0x1d: {  	s11 =	sadd.s32 $0x1, s11;
	[sflag:s15] =	ssyncadd.s32 @!p1 $0xFFFFE000;
	s10 =	smov.u32 s16  }
.LBB1_1:
0x1e: {  	p1 =	sge.u32 s11, s5  }
0x1f: {  	s14 =	sand.u32 @!p1 $0x1FFFFFF, s9  }
0x20: {  	s15 =	smulhi.u32 @!p1 $0x147AE15, s14;
	_ =	sdelay $0x1  }
0x21: {  	s15 =	smul.u32 @!p1 $0xC8, s15  }
0x22: {  	s16 =	sxor.u32 @!p1 $0xFFFFFFFF, s11;
	s17 =	smul.u32 @!p1 $0xC80, s10  }
0x23: {  	s31 =	sadd.s32 $0xFFFFFFFF, s11;
	s16 =	sshll.u32 @!p1 s16, $0xD;
	s14 =	ssub.s32 @!p1 s14, s15  }
0x24: {  	s15 =	sand.u32 @!p1 $0x2000, s16;
	s16 =	sadd.s32 @!p1 s6, s17;
	s14 =	sshll.u32 @!p1 s14, $0x4  }
0x25: {  	s17 =	simm.s32 @!p1 $0x6400;
	s14 =	sadd.s32 @!p1 s14, s16;
	s16 =	simm.s32 @!p1 $0x40  }
0x26: {  	[tilespmem:s15], [sflag:$0x1] =	stream.strided.gather @!p1 [hbm4b:s14+s16], $0x2000, s17, s16, $0x38;
	[tilespmem:$0x8080] =	vst v63  }
0x27: {  	p1 =	sge.u32 s31, s5  }
.Ltmp2:
0x28: {  	_ = 	snop;
	(pc) =	sbr.rel @p1 .LBB1_5-.Ltmp2, $1  }
0x29: {  	_ =	sdelay $0x3  }
0x2a: {  	s14 =	simm.s32 $0x1  }
0x2b: {  	_ =	swait.ge [sflag:s4], $0x2000;
	s14 =	simm.s32 @!p0 $0x0  }
0x2c: {  	[sflag:s4] =	ssyncset.done $0x0;
	s15 =	sshll.u32 s14, $0xD  }
0x2d: {  	[sflag:s4] =	ssyncadd.s32 $0xFFFFE000;
	s18 =	sor.u32 $0x20, s15  }
0x2e: {  	s14 =	smul.u32 $0x8100, s14;
	v3 =	vld [tilespmem:s18+$0x10]  }
0x2f: {  	s30 =	sand.u32 $0x1, s11;
	v2 =	vld [tilespmem:s18+$0xFFFFFFF0]  }
0x30: {  	s15 =	smul.u32 $0x8100, s30;
	s14 =	sshrl.u32 s14, $0x2;
	v0 =	vld [tilespmem:s18+$0x0]  }
0x31: {  	v1 =	vld [tilespmem:s18+$0xFFFFFFE0];
	s16 =	sor.u32 $0x4000, s14  }
0x32: {  	s31 =	sshrl.u32 s15, $0x2;
	s15 =	sadd.s32 $0x0, s16  }
0x33: {  	s17 =	simm.s32 $0x4;
	s18 =	sadd.s32 $0x40, s18;
	s14 =	sor.u32 $0x4000, s31;
	[tilespmem:s15+$0x1830 ss:$0x81] =	vst.msk $0xffff, v3  }
.LBB1_3:
0x34: {  	v3 =	vld [tilespmem:s18+$0x10];
	p1 =	sne.s32 s17, $0x1FC;
	[tilespmem:s15+$0x810 ss:$0x81] =	vst.msk $0xffff, v2;
	s19 =	smov.u32 s17;
	s17 =	sadd.s32 $0x4, s17  }
.Ltmp3:
0x35: {  	v2 =	vld [tilespmem:s18+$0xFFFFFFF0];
	[tilespmem:s15+$0x1020 ss:$0x81] =	vst.msk $0xffff, v0;
	(pc) =	sbr.rel @p1 .LBB1_3-.Ltmp3, $4  }
0x36: {  	v0 =	vld [tilespmem:s18+$0x0];
	[tilespmem:s15+$0x0 ss:$0x81] =	vst.msk $0xffff, v1  }
0x37: {  	s15 =	sshra.s32 s19, $0x2;
	v1 =	vld [tilespmem:s18+$0xFFFFFFE0]  }
0x38: {  	s15 =	sadd.s32 s15, s16  }
0x39: {  	s18 =	sadd.s32 $0x40, s18;
	[tilespmem:s15+$0x1830 ss:$0x81] =	vst.msk $0xffff, v3  }
.Ltmp4:
0x3a: {  	_ = 	snop;
	(pc) =	sbr.rel .LBB1_4-.Ltmp4, $1  }
0x3b: {  	_ =	sdelay $0x3  }
.LBB1_6:
0x3c: {  	_ =	sfence.sel $0x180000  }
0x3d: {  	s2 =	simm.s32 $0x1;
	[bflag:$0x0] =	sbarrier.arrive $0xFFFF  }
0x3e: {  	s31 =	simm.s32 $0x2;
	[sflag:s2] =	ssyncpa.u1 $0x1  }
0x3f: {  	[sflag:s31] =	ssyncpa.u1 $0x1  }
0x40: {  	p0 =	sne.s32 s0, $0x0;
	_ =	strace $0x9000004A  }
0x41: {  	s0 =	sadd.s32 @!p0 $0x100000, s1;
	[bflag:$0x2] =	sbarrier.arrive $0xFFFF  }
0x42: {  	[sflag:s0] =	ssyncadd.tile.s32 @!p0 $0x1;
	_ =	shalt  }
.Lfunc_end1:
_tile_overlayer_lowered:
.L_overlay_start_2:
0x43: {  	(tag) =	ssettag $0x2  }
0x44: {  	s0 =	rddreg [dreg:$0x0];
	s2 =	stileid.u32  }
0x45: {  	s1 =	rddreg [dreg:$0x1];
	p0 =	sne.s32 s2, $0x0  }
0x46: {  	s3 =	rddreg [dreg:$0x2];
	[bflag:$0x3] =	sbarrier.arrive $0xFFFF;
	s2 =	simm.s32 @!p0 $0x1C01  }
0x47: {  	[timem:s3], [sflag:s2] =	dma.local @!p0 [hbm:s0], s1  }
0x48: {  	s0 =	simm.s32 @!p0 $0x1  }
0x49: {  	_ =	swait.ge @!p0 [sflag:s0], s1  }
0x4a: {  	s1 =	ssub.s32 @!p0 $0x0, s1;
	[sflag:s0] =	ssyncset.done @!p0 $0x0  }
0x4b: {  	[sflag:s0] =	ssyncadd.s32 @!p0 s1  }
0x4c: {  	[bflag:$0x3] =	sbarrier.arrive $0xFFFF  }
0x4d: {  	_ =	shalt  }

</sc_bundles>
